<compile_context>
chip_gen: v7x
topology: tpu7x:2x2x1
jax: 0.10.2.dev20260603
libtpu: 0.0.44.dev20260713+nightly
codegen_flags: <defaults>
</compile_context>

<pallas_src>
import functools

import jax
import jax.numpy as jnp
import numpy as np
from jax import lax
from jax.experimental import pallas as pl
from jax.experimental.pallas import tpu as pltpu
from jax.experimental.pallas import tpu_sc as plsc

T, B, C = 576, 128, 768
R = T * B
NC, NS = 2, 16
NW = NC * NS
RPW = R // NW
NBUF = 3
CHUNK = 48
NCHUNK = RPW // CHUNK
NROUND = NCHUNK // NBUF




def _rotl32(x, d):
    return (x << np.uint32(d)) | (x >> np.uint32(32 - d))


def _threefry2x32(k1, k2, x0, x1):
    rot = ((13, 15, 26, 6), (17, 29, 16, 24))
    ks = (np.uint32(k1), np.uint32(k2),
          np.uint32(k1) ^ np.uint32(k2) ^ np.uint32(0x1BD11BDA))
    x0 = (x0 + ks[0]).astype(np.uint32)
    x1 = (x1 + ks[1]).astype(np.uint32)
    inj = ((1, 2, 1), (2, 0, 2), (0, 1, 3), (1, 2, 4), (2, 0, 5))
    for grp in range(5):
        for r in rot[grp % 2]:
            x0 = (x0 + x1).astype(np.uint32)
            x1 = x0 ^ _rotl32(x1, r)
        a, b, c = inj[grp]
        x0 = (x0 + ks[a]).astype(np.uint32)
        x1 = (x1 + ks[b] + np.uint32(c)).astype(np.uint32)
    return x0, x1


def _iota_counts(n):
    cnt = np.arange(n, dtype=np.uint64)
    return ((cnt >> np.uint64(32)).astype(np.uint32),
            (cnt & np.uint64(0xFFFFFFFF)).astype(np.uint32))


def _np_split(k1, k2, num, partitionable):
    if partitionable:
        b1, b2 = _threefry2x32(k1, k2, *_iota_counts(num))
        return np.stack([b1, b2], axis=1)
    counts = np.arange(num * 2, dtype=np.uint32)
    o0, o1 = _threefry2x32(k1, k2, counts[:num], counts[num:])
    return np.concatenate([o0, o1]).reshape(num, 2)


def _np_bits32(k1, k2, n, partitionable):
    if partitionable:
        b1, b2 = _threefry2x32(k1, k2, *_iota_counts(n))
        return b1 ^ b2
    h = (n + 1) // 2
    counts = np.arange(2 * h, dtype=np.uint32)
    counts[n:] = 0
    o0, o1 = _threefry2x32(k1, k2, counts[:h], counts[h:])
    return np.concatenate([o0, o1])[:n]


def _make_indexes():
    part = bool(jax.config.jax_threefry_partitionable)
    seed = 42
    k1 = np.uint32(np.uint64(seed) >> np.uint64(32))
    k2 = np.uint32(seed & 0xFFFFFFFF)
    keys = _np_split(k1, k2, B, part)
    cols = []
    for i in range(B):
        sub = _np_split(keys[i, 0], keys[i, 1], 2, part)[1]
        bits = _np_bits32(sub[0], sub[1], T, part)
        cols.append(np.argsort(bits, kind="stable").astype(np.int32))
    fwd = np.stack(cols, axis=-1)
    bwd = np.argsort(fwd, axis=0, kind="stable").astype(np.int32)
    flat = (fwd * B + np.arange(B, dtype=np.int32)[None, :]).reshape(R)
    return fwd, bwd, flat


_FWD, _BWD, _IDX_FLAT = _make_indexes()

@functools.cache
def _build_permute_rows():
    mesh = plsc.VectorSubcoreMesh(core_axis_name="c", subcore_axis_name="s",
                                  num_cores=NC, num_subcores=NS)
    return functools.partial(
        pl.kernel,
        out_type=jax.ShapeDtypeStruct((R, C), jnp.float32),
        mesh=mesh,
        scratch_types=(
            [pltpu.VMEM((RPW,), jnp.int32)]
            + [pltpu.VMEM((CHUNK, C), jnp.float32)] * NBUF
            + [pltpu.SemaphoreType.DMA] * NBUF
            + [pltpu.SemaphoreType.DMA] * NBUF
        ),
    )(_permute_rows_body)


def _permute_rows_body(src, idxh, out, idx_v, *rest):
    bufs_ = rest[:NBUF]
    isems = rest[NBUF:2 * NBUF]
    osems = rest[2 * NBUF:3 * NBUF]
    wid = lax.axis_index("s") * NC + lax.axis_index("c")
    base = pl.multiple_of(wid * RPW, RPW)
    pltpu.sync_copy(idxh.at[pl.ds(base, RPW)], idx_v)

    def g_src(c):
        return src.at[idx_v.at[pl.ds(pl.multiple_of(c * CHUNK, 8), CHUNK)]]

    def o_dst(c):
        return out.at[pl.ds(pl.multiple_of(base + c * CHUNK, 8), CHUNK)]

    bufs = tuple(zip(bufs_, isems, osems))

    for b, (buf, isem, _) in enumerate(bufs):
        pltpu.async_copy(g_src(b), buf, isem)

    def step(i, carry):
        for b, (buf, isem, osem) in enumerate(bufs):
            c = NBUF * i + b
            pltpu.make_async_copy(g_src(c), buf, isem).wait()
            pltpu.async_copy(buf, o_dst(c), osem)

            @pl.when(c + NBUF < NCHUNK)
            def _():
                pltpu.make_async_copy(buf, o_dst(c), osem).wait()
                pltpu.async_copy(g_src(c + NBUF), buf, isem)
        return carry

    lax.fori_loop(0, NROUND, step, 0)
    for b, (buf, _, osem) in enumerate(bufs):
        pltpu.make_async_copy(buf, o_dst(NCHUNK - NBUF + b), osem).wait()


def kernel(patches):
    src = patches.reshape(R, C)
    shuffled = _build_permute_rows()(src, jnp.asarray(_IDX_FLAT)).reshape(T, B, C)
    fwd = jnp.asarray(_FWD).astype(jnp.int64)
    bwd = jnp.asarray(_BWD).astype(jnp.int64)
    return shuffled, fwd, bwd

# --- scband reference (transcript-rebuilt; emitter-appended) ---
"""Pipeline reference for scband-patch-shuffle-89635967467819 (READ-ONLY COPY).

The authoritative reference and input builder live on the scoring server;
editing this copy changes nothing except your own understanding.
"""

import jax, jax.numpy as jnp
import numpy as np


def setup_inputs(seed: int = 0) -> dict:
    key = jax.random.key(seed)
    patches = jax.random.normal(key, (576, 128, 768), dtype=jnp.float32)
    return {"patches": patches}


def reference(patches):
    # Faithful translation of PatchShuffle.forward
    T, B, C = patches.shape
    key = jax.random.key(42)
    keys = jax.random.split(key, B)
    # per-batch random permutation of T patch positions -> forward_indexes [T, B]
    forward_indexes = jnp.stack([jax.random.permutation(k, T) for k in keys], axis=-1).astype(jnp.int64)
    # backward_indexes = argsort of forward_indexes along T
    backward_indexes = jnp.argsort(forward_indexes, axis=0).astype(jnp.int64)
    # take_indexes: gather along dim 0 with indexes broadcast over channel dim
    idx = jnp.broadcast_to(forward_indexes[:, :, None], (T, B, C))
    shuffled = jnp.take_along_axis(patches, idx, axis=0)
    return (shuffled, forward_indexes, backward_indexes)

if __name__ == "__main__":
    import jax
    _d = setup_inputs()
    print(jax.jit(kernel)(*tuple(_d.values())))

</pallas_src>

<mosaic_0001>
#map = affine_map<(d0, d1) -> (0, 0)>
#map1 = affine_map<(d0, d1) -> (0)>
module attributes {stable_mosaic.version = 14 : i64} {
  func.func @_permute_rows_body(%arg0: i32, %arg1: i32, %arg2: memref<73728x768xf32, #tpu.memory_space<hbm>>, %arg3: memref<73728xi32, #tpu.memory_space<hbm>>, %arg4: memref<73728x768xf32, #tpu.memory_space<hbm>>, %arg5: memref<2304xi32, #tpu.memory_space<vmem>>, %arg6: memref<48x768xf32, #tpu.memory_space<vmem>>, %arg7: memref<48x768xf32, #tpu.memory_space<vmem>>, %arg8: memref<48x768xf32, #tpu.memory_space<vmem>>, %arg9: memref<!tpu.dma_semaphore, #tpu.memory_space<semaphore_mem>>, %arg10: memref<!tpu.dma_semaphore, #tpu.memory_space<semaphore_mem>>, %arg11: memref<!tpu.dma_semaphore, #tpu.memory_space<semaphore_mem>>, %arg12: memref<!tpu.dma_semaphore, #tpu.memory_space<semaphore_mem>>, %arg13: memref<!tpu.dma_semaphore, #tpu.memory_space<semaphore_mem>>, %arg14: memref<!tpu.dma_semaphore, #tpu.memory_space<semaphore_mem>>) attributes {dimension_semantics = [#tpu.dimension_semantics<core_parallel>, #tpu.dimension_semantics<subcore_parallel>], iteration_bounds = array<i64: 2, 16>, scalar_prefetch = 0 : i64, scratch_operands = 10 : i64, tpu.core_type = #tpu.core_type<sc_vector_subcore>, window_params = [{transform_indices = #map}, {transform_indices = #map1}, {transform_indices = #map}]} {
    %mul3A = arith.constant 2 : i32
    %mul3A_0 = arith.muli %arg1, %mul3A : i32
    %add3A = arith.addi %mul3A_0, %arg0 : i32
    %mul3A_1 = arith.constant 2304 : i32
    %mul3A_2 = arith.muli %add3A, %mul3A_1 : i32
    %multiple_of3A = tpu.assume_multiple %mul3A_2, 2304 : i32
    "tpu.region"() ({
      %run_scoped3A = tpu.sem_alloc : memref<!tpu.dma_semaphore, #tpu.memory_space<semaphore_mem>>
      %dma_start3A_45 = tpu.memref_slice %arg3[%multiple_of3A] : memref<73728xi32, #tpu.memory_space<hbm>> -> memref<2304xi32, #tpu.memory_space<hbm>>
      %dma_start3A_46 = tpu.memref_slice %arg3[%multiple_of3A] : memref<73728xi32, #tpu.memory_space<hbm>> -> memref<2304xi32, #tpu.memory_space<hbm>>
      tpu.enqueue_dma source(%dma_start3A_46 : memref<2304xi32, #tpu.memory_space<hbm>>) target(%arg5 : memref<2304xi32, #tpu.memory_space<vmem>>) target_semaphore(%run_scoped3A : memref<!tpu.dma_semaphore, #tpu.memory_space<semaphore_mem>>)
      %dma_wait3A_47 = tpu.memref_slice %arg3[%multiple_of3A] : memref<73728xi32, #tpu.memory_space<hbm>> -> memref<2304xi32, #tpu.memory_space<hbm>>
      %dma_wait3A_48 = tpu.memref_slice %arg3[%multiple_of3A] : memref<73728xi32, #tpu.memory_space<hbm>> -> memref<2304xi32, #tpu.memory_space<hbm>>
      tpu.wait_dma2 semaphore(%run_scoped3A : memref<!tpu.dma_semaphore, #tpu.memory_space<semaphore_mem>>) src(%dma_wait3A_48 : memref<2304xi32, #tpu.memory_space<hbm>>) dst(%arg5 : memref<2304xi32, #tpu.memory_space<vmem>>)
      tpu.yield
    }) : () -> ()
    %multiple_of3A_3 = arith.constant 0 : i32
    %multiple_of3A_4 = tpu.assume_multiple %multiple_of3A_3, 8 : i32
    %dma_start3A = tpu.memref_slice %arg5[%multiple_of3A_4] : memref<2304xi32, #tpu.memory_space<vmem>> -> memref<48xi32, #tpu.memory_space<vmem>>
    %dma_start3A_5 = arith.constant 0 : i32
    %dma_start3A_6 = arith.constant 0 : i32
    %dma_start3A_7 = tpu.memref_slice %arg2[%dma_start3A_5, %dma_start3A_6] : memref<73728x768xf32, #tpu.memory_space<hbm>> -> memref<73728x768xf32, #tpu.memory_space<hbm>>
    tpu.enqueue_indirect_dma source(%dma_start3A_7 : memref<73728x768xf32, #tpu.memory_space<hbm>>) target(%arg6 : memref<48x768xf32, #tpu.memory_space<vmem>>) offsets(%dma_start3A : memref<48xi32, #tpu.memory_space<vmem>>) semaphore(%arg9 : memref<!tpu.dma_semaphore, #tpu.memory_space<semaphore_mem>>)
    %multiple_of3A_8 = arith.constant 48 : i32
    %multiple_of3A_9 = tpu.assume_multiple %multiple_of3A_8, 8 : i32
    %dma_start3A_10 = tpu.memref_slice %arg5[%multiple_of3A_9] : memref<2304xi32, #tpu.memory_space<vmem>> -> memref<48xi32, #tpu.memory_space<vmem>>
    %dma_start3A_11 = arith.constant 0 : i32
    %dma_start3A_12 = arith.constant 0 : i32
    %dma_start3A_13 = tpu.memref_slice %arg2[%dma_start3A_11, %dma_start3A_12] : memref<73728x768xf32, #tpu.memory_space<hbm>> -> memref<73728x768xf32, #tpu.memory_space<hbm>>
    tpu.enqueue_indirect_dma source(%dma_start3A_13 : memref<73728x768xf32, #tpu.memory_space<hbm>>) target(%arg7 : memref<48x768xf32, #tpu.memory_space<vmem>>) offsets(%dma_start3A_10 : memref<48xi32, #tpu.memory_space<vmem>>) semaphore(%arg10 : memref<!tpu.dma_semaphore, #tpu.memory_space<semaphore_mem>>)
    %multiple_of3A_14 = arith.constant 96 : i32
    %multiple_of3A_15 = tpu.assume_multiple %multiple_of3A_14, 8 : i32
    %dma_start3A_16 = tpu.memref_slice %arg5[%multiple_of3A_15] : memref<2304xi32, #tpu.memory_space<vmem>> -> memref<48xi32, #tpu.memory_space<vmem>>
    %dma_start3A_17 = arith.constant 0 : i32
    %dma_start3A_18 = arith.constant 0 : i32
    %dma_start3A_19 = tpu.memref_slice %arg2[%dma_start3A_17, %dma_start3A_18] : memref<73728x768xf32, #tpu.memory_space<hbm>> -> memref<73728x768xf32, #tpu.memory_space<hbm>>
    tpu.enqueue_indirect_dma source(%dma_start3A_19 : memref<73728x768xf32, #tpu.memory_space<hbm>>) target(%arg8 : memref<48x768xf32, #tpu.memory_space<vmem>>) offsets(%dma_start3A_16 : memref<48xi32, #tpu.memory_space<vmem>>) semaphore(%arg11 : memref<!tpu.dma_semaphore, #tpu.memory_space<semaphore_mem>>)
    %scan3A = arith.constant 0 : i32
    %scan3A_20 = arith.constant 0 : i32
    %scan3A_21 = arith.constant 16 : i32
    %scan3A_22 = arith.addi %scan3A_20, %scan3A_21 : i32
    %scan3A_23 = arith.constant 1 : i32
    scf.for %scan3A_45 = %scan3A_20 to %scan3A_22 step %scan3A_23  : i32 {
      %mul3A_46 = arith.constant 3 : i32
      %mul3A_47 = arith.muli %mul3A_46, %scan3A_45 : i32
      %add3A_48 = arith.constant 0 : i32
      %add3A_49 = arith.addi %mul3A_47, %add3A_48 : i32
      %mul3A_50 = arith.constant 48 : i32
      %mul3A_51 = arith.muli %add3A_49, %mul3A_50 : i32
      %multiple_of3A_52 = tpu.assume_multiple %mul3A_51, 8 : i32
      %dma_wait3A_53 = tpu.memref_slice %arg5[%multiple_of3A_52] : memref<2304xi32, #tpu.memory_space<vmem>> -> memref<48xi32, #tpu.memory_space<vmem>>
      %dma_wait3A_54 = arith.constant 0 : i32
      %dma_wait3A_55 = arith.constant 0 : i32
      %dma_wait3A_56 = tpu.memref_slice %arg2[%dma_wait3A_54, %dma_wait3A_55] : memref<73728x768xf32, #tpu.memory_space<hbm>> -> memref<73728x768xf32, #tpu.memory_space<hbm>>
      tpu.wait_indirect_dma semaphore(%arg9 : memref<!tpu.dma_semaphore, #tpu.memory_space<semaphore_mem>>) src(%dma_wait3A_56 : memref<73728x768xf32, #tpu.memory_space<hbm>>) dst(%arg6 : memref<48x768xf32, #tpu.memory_space<vmem>>)
      %mul3A_57 = arith.constant 48 : i32
      %mul3A_58 = arith.muli %add3A_49, %mul3A_57 : i32
      %add3A_59 = arith.addi %multiple_of3A, %mul3A_58 : i32
      %multiple_of3A_60 = tpu.assume_multiple %add3A_59, 8 : i32
      %dma_start3A_61 = arith.constant 0 : i32
      %dma_start3A_62 = tpu.memref_slice %arg4[%multiple_of3A_60, %dma_start3A_61] : memref<73728x768xf32, #tpu.memory_space<hbm>> -> memref<48x768xf32, #tpu.memory_space<hbm>>
      %dma_start3A_63 = arith.constant 0 : i32
      %dma_start3A_64 = tpu.memref_slice %arg4[%multiple_of3A_60, %dma_start3A_63] : memref<73728x768xf32, #tpu.memory_space<hbm>> -> memref<48x768xf32, #tpu.memory_space<hbm>>
      tpu.enqueue_dma source(%arg6 : memref<48x768xf32, #tpu.memory_space<vmem>>) target(%dma_start3A_64 : memref<48x768xf32, #tpu.memory_space<hbm>>) target_semaphore(%arg12 : memref<!tpu.dma_semaphore, #tpu.memory_space<semaphore_mem>>)
      %add3A_65 = arith.constant 3 : i32
      %add3A_66 = arith.addi %add3A_49, %add3A_65 : i32
      %lt3A = arith.constant 48 : i32
      %lt3A_67 = arith.cmpi slt, %add3A_66, %lt3A : i32
      %convert_element_type3A = arith.extui %lt3A_67 : i1 to i32
      %cond3A = arith.constant 0 : i32
      %cond3A_68 = arith.cmpi ne, %convert_element_type3A, %cond3A : i32
      scf.if %cond3A_68 {
        %mul3A_121 = arith.constant 48 : i32
        %mul3A_122 = arith.muli %add3A_49, %mul3A_121 : i32
        %add3A_123 = arith.addi %multiple_of3A, %mul3A_122 : i32
        %multiple_of3A_124 = tpu.assume_multiple %add3A_123, 8 : i32
        %dma_wait3A_125 = arith.constant 0 : i32
        %dma_wait3A_126 = tpu.memref_slice %arg4[%multiple_of3A_124, %dma_wait3A_125] : memref<73728x768xf32, #tpu.memory_space<hbm>> -> memref<48x768xf32, #tpu.memory_space<hbm>>
        %dma_wait3A_127 = arith.constant 0 : i32
        %dma_wait3A_128 = tpu.memref_slice %arg4[%multiple_of3A_124, %dma_wait3A_127] : memref<73728x768xf32, #tpu.memory_space<hbm>> -> memref<48x768xf32, #tpu.memory_space<hbm>>
        tpu.wait_dma2 semaphore(%arg12 : memref<!tpu.dma_semaphore, #tpu.memory_space<semaphore_mem>>) src(%arg6 : memref<48x768xf32, #tpu.memory_space<vmem>>) dst(%dma_wait3A_128 : memref<48x768xf32, #tpu.memory_space<hbm>>)
        %add3A_129 = arith.constant 3 : i32
        %add3A_130 = arith.addi %add3A_49, %add3A_129 : i32
        %mul3A_131 = arith.constant 48 : i32
        %mul3A_132 = arith.muli %add3A_130, %mul3A_131 : i32
        %multiple_of3A_133 = tpu.assume_multiple %mul3A_132, 8 : i32
        %dma_start3A_134 = tpu.memref_slice %arg5[%multiple_of3A_133] : memref<2304xi32, #tpu.memory_space<vmem>> -> memref<48xi32, #tpu.memory_space<vmem>>
        %dma_start3A_135 = arith.constant 0 : i32
        %dma_start3A_136 = arith.constant 0 : i32
        %dma_start3A_137 = tpu.memref_slice %arg2[%dma_start3A_135, %dma_start3A_136] : memref<73728x768xf32, #tpu.memory_space<hbm>> -> memref<73728x768xf32, #tpu.memory_space<hbm>>
        tpu.enqueue_indirect_dma source(%dma_start3A_137 : memref<73728x768xf32, #tpu.memory_space<hbm>>) target(%arg6 : memref<48x768xf32, #tpu.memory_space<vmem>>) offsets(%dma_start3A_134 : memref<48xi32, #tpu.memory_space<vmem>>) semaphore(%arg9 : memref<!tpu.dma_semaphore, #tpu.memory_space<semaphore_mem>>)
      } else {
      }
      %mul3A_69 = arith.constant 3 : i32
      %mul3A_70 = arith.muli %mul3A_69, %scan3A_45 : i32
      %add3A_71 = arith.constant 1 : i32
      %add3A_72 = arith.addi %mul3A_70, %add3A_71 : i32
      %mul3A_73 = arith.constant 48 : i32
      %mul3A_74 = arith.muli %add3A_72, %mul3A_73 : i32
      %multiple_of3A_75 = tpu.assume_multiple %mul3A_74, 8 : i32
      %dma_wait3A_76 = tpu.memref_slice %arg5[%multiple_of3A_75] : memref<2304xi32, #tpu.memory_space<vmem>> -> memref<48xi32, #tpu.memory_space<vmem>>
      %dma_wait3A_77 = arith.constant 0 : i32
      %dma_wait3A_78 = arith.constant 0 : i32
      %dma_wait3A_79 = tpu.memref_slice %arg2[%dma_wait3A_77, %dma_wait3A_78] : memref<73728x768xf32, #tpu.memory_space<hbm>> -> memref<73728x768xf32, #tpu.memory_space<hbm>>
      tpu.wait_indirect_dma semaphore(%arg10 : memref<!tpu.dma_semaphore, #tpu.memory_space<semaphore_mem>>) src(%dma_wait3A_79 : memref<73728x768xf32, #tpu.memory_space<hbm>>) dst(%arg7 : memref<48x768xf32, #tpu.memory_space<vmem>>)
      %mul3A_80 = arith.constant 48 : i32
      %mul3A_81 = arith.muli %add3A_72, %mul3A_80 : i32
      %add3A_82 = arith.addi %multiple_of3A, %mul3A_81 : i32
      %multiple_of3A_83 = tpu.assume_multiple %add3A_82, 8 : i32
      %dma_start3A_84 = arith.constant 0 : i32
      %dma_start3A_85 = tpu.memref_slice %arg4[%multiple_of3A_83, %dma_start3A_84] : memref<73728x768xf32, #tpu.memory_space<hbm>> -> memref<48x768xf32, #tpu.memory_space<hbm>>
      %dma_start3A_86 = arith.constant 0 : i32
      %dma_start3A_87 = tpu.memref_slice %arg4[%multiple_of3A_83, %dma_start3A_86] : memref<73728x768xf32, #tpu.memory_space<hbm>> -> memref<48x768xf32, #tpu.memory_space<hbm>>
      tpu.enqueue_dma source(%arg7 : memref<48x768xf32, #tpu.memory_space<vmem>>) target(%dma_start3A_87 : memref<48x768xf32, #tpu.memory_space<hbm>>) target_semaphore(%arg13 : memref<!tpu.dma_semaphore, #tpu.memory_space<semaphore_mem>>)
      %add3A_88 = arith.constant 3 : i32
      %add3A_89 = arith.addi %add3A_72, %add3A_88 : i32
      %lt3A_90 = arith.constant 48 : i32
      %lt3A_91 = arith.cmpi slt, %add3A_89, %lt3A_90 : i32
      %convert_element_type3A_92 = arith.extui %lt3A_91 : i1 to i32
      %cond3A_93 = arith.constant 0 : i32
      %cond3A_94 = arith.cmpi ne, %convert_element_type3A_92, %cond3A_93 : i32
      scf.if %cond3A_94 {
        %mul3A_121 = arith.constant 48 : i32
        %mul3A_122 = arith.muli %add3A_72, %mul3A_121 : i32
        %add3A_123 = arith.addi %multiple_of3A, %mul3A_122 : i32
        %multiple_of3A_124 = tpu.assume_multiple %add3A_123, 8 : i32
        %dma_wait3A_125 = arith.constant 0 : i32
        %dma_wait3A_126 = tpu.memref_slice %arg4[%multiple_of3A_124, %dma_wait3A_125] : memref<73728x768xf32, #tpu.memory_space<hbm>> -> memref<48x768xf32, #tpu.memory_space<hbm>>
        %dma_wait3A_127 = arith.constant 0 : i32
        %dma_wait3A_128 = tpu.memref_slice %arg4[%multiple_of3A_124, %dma_wait3A_127] : memref<73728x768xf32, #tpu.memory_space<hbm>> -> memref<48x768xf32, #tpu.memory_space<hbm>>
        tpu.wait_dma2 semaphore(%arg13 : memref<!tpu.dma_semaphore, #tpu.memory_space<semaphore_mem>>) src(%arg7 : memref<48x768xf32, #tpu.memory_space<vmem>>) dst(%dma_wait3A_128 : memref<48x768xf32, #tpu.memory_space<hbm>>)
        %add3A_129 = arith.constant 3 : i32
        %add3A_130 = arith.addi %add3A_72, %add3A_129 : i32
        %mul3A_131 = arith.constant 48 : i32
        %mul3A_132 = arith.muli %add3A_130, %mul3A_131 : i32
        %multiple_of3A_133 = tpu.assume_multiple %mul3A_132, 8 : i32
        %dma_start3A_134 = tpu.memref_slice %arg5[%multiple_of3A_133] : memref<2304xi32, #tpu.memory_space<vmem>> -> memref<48xi32, #tpu.memory_space<vmem>>
        %dma_start3A_135 = arith.constant 0 : i32
        %dma_start3A_136 = arith.constant 0 : i32
        %dma_start3A_137 = tpu.memref_slice %arg2[%dma_start3A_135, %dma_start3A_136] : memref<73728x768xf32, #tpu.memory_space<hbm>> -> memref<73728x768xf32, #tpu.memory_space<hbm>>
        tpu.enqueue_indirect_dma source(%dma_start3A_137 : memref<73728x768xf32, #tpu.memory_space<hbm>>) target(%arg7 : memref<48x768xf32, #tpu.memory_space<vmem>>) offsets(%dma_start3A_134 : memref<48xi32, #tpu.memory_space<vmem>>) semaphore(%arg10 : memref<!tpu.dma_semaphore, #tpu.memory_space<semaphore_mem>>)
      } else {
      }
      %mul3A_95 = arith.constant 3 : i32
      %mul3A_96 = arith.muli %mul3A_95, %scan3A_45 : i32
      %add3A_97 = arith.constant 2 : i32
      %add3A_98 = arith.addi %mul3A_96, %add3A_97 : i32
      %mul3A_99 = arith.constant 48 : i32
      %mul3A_100 = arith.muli %add3A_98, %mul3A_99 : i32
      %multiple_of3A_101 = tpu.assume_multiple %mul3A_100, 8 : i32
      %dma_wait3A_102 = tpu.memref_slice %arg5[%multiple_of3A_101] : memref<2304xi32, #tpu.memory_space<vmem>> -> memref<48xi32, #tpu.memory_space<vmem>>
      %dma_wait3A_103 = arith.constant 0 : i32
      %dma_wait3A_104 = arith.constant 0 : i32
      %dma_wait3A_105 = tpu.memref_slice %arg2[%dma_wait3A_103, %dma_wait3A_104] : memref<73728x768xf32, #tpu.memory_space<hbm>> -> memref<73728x768xf32, #tpu.memory_space<hbm>>
      tpu.wait_indirect_dma semaphore(%arg11 : memref<!tpu.dma_semaphore, #tpu.memory_space<semaphore_mem>>) src(%dma_wait3A_105 : memref<73728x768xf32, #tpu.memory_space<hbm>>) dst(%arg8 : memref<48x768xf32, #tpu.memory_space<vmem>>)
      %mul3A_106 = arith.constant 48 : i32
      %mul3A_107 = arith.muli %add3A_98, %mul3A_106 : i32
      %add3A_108 = arith.addi %multiple_of3A, %mul3A_107 : i32
      %multiple_of3A_109 = tpu.assume_multiple %add3A_108, 8 : i32
      %dma_start3A_110 = arith.constant 0 : i32
      %dma_start3A_111 = tpu.memref_slice %arg4[%multiple_of3A_109, %dma_start3A_110] : memref<73728x768xf32, #tpu.memory_space<hbm>> -> memref<48x768xf32, #tpu.memory_space<hbm>>
      %dma_start3A_112 = arith.constant 0 : i32
      %dma_start3A_113 = tpu.memref_slice %arg4[%multiple_of3A_109, %dma_start3A_112] : memref<73728x768xf32, #tpu.memory_space<hbm>> -> memref<48x768xf32, #tpu.memory_space<hbm>>
      tpu.enqueue_dma source(%arg8 : memref<48x768xf32, #tpu.memory_space<vmem>>) target(%dma_start3A_113 : memref<48x768xf32, #tpu.memory_space<hbm>>) target_semaphore(%arg14 : memref<!tpu.dma_semaphore, #tpu.memory_space<semaphore_mem>>)
      %add3A_114 = arith.constant 3 : i32
      %add3A_115 = arith.addi %add3A_98, %add3A_114 : i32
      %lt3A_116 = arith.constant 48 : i32
      %lt3A_117 = arith.cmpi slt, %add3A_115, %lt3A_116 : i32
      %convert_element_type3A_118 = arith.extui %lt3A_117 : i1 to i32
      %cond3A_119 = arith.constant 0 : i32
      %cond3A_120 = arith.cmpi ne, %convert_element_type3A_118, %cond3A_119 : i32
      scf.if %cond3A_120 {
        %mul3A_121 = arith.constant 48 : i32
        %mul3A_122 = arith.muli %add3A_98, %mul3A_121 : i32
        %add3A_123 = arith.addi %multiple_of3A, %mul3A_122 : i32
        %multiple_of3A_124 = tpu.assume_multiple %add3A_123, 8 : i32
        %dma_wait3A_125 = arith.constant 0 : i32
        %dma_wait3A_126 = tpu.memref_slice %arg4[%multiple_of3A_124, %dma_wait3A_125] : memref<73728x768xf32, #tpu.memory_space<hbm>> -> memref<48x768xf32, #tpu.memory_space<hbm>>
        %dma_wait3A_127 = arith.constant 0 : i32
        %dma_wait3A_128 = tpu.memref_slice %arg4[%multiple_of3A_124, %dma_wait3A_127] : memref<73728x768xf32, #tpu.memory_space<hbm>> -> memref<48x768xf32, #tpu.memory_space<hbm>>
        tpu.wait_dma2 semaphore(%arg14 : memref<!tpu.dma_semaphore, #tpu.memory_space<semaphore_mem>>) src(%arg8 : memref<48x768xf32, #tpu.memory_space<vmem>>) dst(%dma_wait3A_128 : memref<48x768xf32, #tpu.memory_space<hbm>>)
        %add3A_129 = arith.constant 3 : i32
        %add3A_130 = arith.addi %add3A_98, %add3A_129 : i32
        %mul3A_131 = arith.constant 48 : i32
        %mul3A_132 = arith.muli %add3A_130, %mul3A_131 : i32
        %multiple_of3A_133 = tpu.assume_multiple %mul3A_132, 8 : i32
        %dma_start3A_134 = tpu.memref_slice %arg5[%multiple_of3A_133] : memref<2304xi32, #tpu.memory_space<vmem>> -> memref<48xi32, #tpu.memory_space<vmem>>
        %dma_start3A_135 = arith.constant 0 : i32
        %dma_start3A_136 = arith.constant 0 : i32
        %dma_start3A_137 = tpu.memref_slice %arg2[%dma_start3A_135, %dma_start3A_136] : memref<73728x768xf32, #tpu.memory_space<hbm>> -> memref<73728x768xf32, #tpu.memory_space<hbm>>
        tpu.enqueue_indirect_dma source(%dma_start3A_137 : memref<73728x768xf32, #tpu.memory_space<hbm>>) target(%arg8 : memref<48x768xf32, #tpu.memory_space<vmem>>) offsets(%dma_start3A_134 : memref<48xi32, #tpu.memory_space<vmem>>) semaphore(%arg11 : memref<!tpu.dma_semaphore, #tpu.memory_space<semaphore_mem>>)
      } else {
      }
    }
    %scan3A_24 = arith.constant 16 : i32
    %add3A_25 = arith.constant 2160 : i32
    %add3A_26 = arith.addi %multiple_of3A, %add3A_25 : i32
    %multiple_of3A_27 = tpu.assume_multiple %add3A_26, 8 : i32
    %dma_wait3A = arith.constant 0 : i32
    %dma_wait3A_28 = tpu.memref_slice %arg4[%multiple_of3A_27, %dma_wait3A] : memref<73728x768xf32, #tpu.memory_space<hbm>> -> memref<48x768xf32, #tpu.memory_space<hbm>>
    %dma_wait3A_29 = arith.constant 0 : i32
    %dma_wait3A_30 = tpu.memref_slice %arg4[%multiple_of3A_27, %dma_wait3A_29] : memref<73728x768xf32, #tpu.memory_space<hbm>> -> memref<48x768xf32, #tpu.memory_space<hbm>>
    tpu.wait_dma2 semaphore(%arg12 : memref<!tpu.dma_semaphore, #tpu.memory_space<semaphore_mem>>) src(%arg6 : memref<48x768xf32, #tpu.memory_space<vmem>>) dst(%dma_wait3A_30 : memref<48x768xf32, #tpu.memory_space<hbm>>)
    %add3A_31 = arith.constant 2208 : i32
    %add3A_32 = arith.addi %multiple_of3A, %add3A_31 : i32
    %multiple_of3A_33 = tpu.assume_multiple %add3A_32, 8 : i32
    %dma_wait3A_34 = arith.constant 0 : i32
    %dma_wait3A_35 = tpu.memref_slice %arg4[%multiple_of3A_33, %dma_wait3A_34] : memref<73728x768xf32, #tpu.memory_space<hbm>> -> memref<48x768xf32, #tpu.memory_space<hbm>>
    %dma_wait3A_36 = arith.constant 0 : i32
    %dma_wait3A_37 = tpu.memref_slice %arg4[%multiple_of3A_33, %dma_wait3A_36] : memref<73728x768xf32, #tpu.memory_space<hbm>> -> memref<48x768xf32, #tpu.memory_space<hbm>>
    tpu.wait_dma2 semaphore(%arg13 : memref<!tpu.dma_semaphore, #tpu.memory_space<semaphore_mem>>) src(%arg7 : memref<48x768xf32, #tpu.memory_space<vmem>>) dst(%dma_wait3A_37 : memref<48x768xf32, #tpu.memory_space<hbm>>)
    %add3A_38 = arith.constant 2256 : i32
    %add3A_39 = arith.addi %multiple_of3A, %add3A_38 : i32
    %multiple_of3A_40 = tpu.assume_multiple %add3A_39, 8 : i32
    %dma_wait3A_41 = arith.constant 0 : i32
    %dma_wait3A_42 = tpu.memref_slice %arg4[%multiple_of3A_40, %dma_wait3A_41] : memref<73728x768xf32, #tpu.memory_space<hbm>> -> memref<48x768xf32, #tpu.memory_space<hbm>>
    %dma_wait3A_43 = arith.constant 0 : i32
    %dma_wait3A_44 = tpu.memref_slice %arg4[%multiple_of3A_40, %dma_wait3A_43] : memref<73728x768xf32, #tpu.memory_space<hbm>> -> memref<48x768xf32, #tpu.memory_space<hbm>>
    tpu.wait_dma2 semaphore(%arg14 : memref<!tpu.dma_semaphore, #tpu.memory_space<semaphore_mem>>) src(%arg8 : memref<48x768xf32, #tpu.memory_space<vmem>>) dst(%dma_wait3A_44 : memref<48x768xf32, #tpu.memory_space<hbm>>)
    return
  }
}

</mosaic_0001>

<sc_bundles>
// kernel: kernel.3.cloned.1.call-start
scs
__scs_entry_jumppad:
0x0: {  	(pc) =	sbr.rel $0x88, $3  }
0x1: {  	(tag) =	ssettag $0x0;
	lr =	simm.s32 $0x1  }
0x2: {  	[smem:$0x3FA0] =	sst lr;
	_ =	strace $0xD0000000  }
0x3: {  	_ = 	snop  }
0x4: {  	_ = 	snop  }
0x5: {  	_ = 	snop  }
0x6: {  	_ = 	snop  }
0x7: {  	_ = 	snop  }
__scs_overlays_trampoline_lowered:
0x8: {  	[smem:$0x3FAF] =	sst s0  }
0x9: {  	[smem:$0x3FB0] =	sst s1  }
0xa: {  	[smem:$0x3FB1] =	sst s2  }
0xb: {  	[smem:$0x3FB2] =	sst s3  }
0xc: {  	[smem:$0x3FB3] =	sst s4  }
0xd: {  	[smem:$0x3FB4] =	sst s5  }
0xe: {  	[smem:$0x3FB5] =	sst s6  }
0xf: {  	[smem:$0x3FB6] =	sst s7  }
0x10: {  	[smem:$0x3FB7] =	sst s8  }
0x11: {  	[smem:$0x3FB8] =	sst s9;
	s0 =	simm.s32 @!p0 $0x0  }
0x12: {  	s1 =	sld [smem:$0x3F9E];
	s0 =	simm.s32 @p0 $0x1  }
0x13: {  	[smem:$0x3FB9] =	sst s0;
	s0 =	simm.s32 @!p1 $0x0  }
0x14: {  	s2 =	sld [smem:$0x3F9D];
	s0 =	simm.s32 @p1 $0x1  }
0x15: {  	[smem:$0x3FBA] =	sst s0;
	s0 =	simm.s32 @!p2 $0x0  }
0x16: {  	s3 =	sld [smem:$0x3FDB];
	s0 =	simm.s32 @p2 $0x1  }
0x17: {  	s4 =	simm.s32 $0x1BF5;
	[smem:$0x3FBC] =	sst s0  }
0x18: {  	s0 =	sld [smem:$0x3F9F];
	_ =	swait.ge [sflag:s4], $0x0  }
0x19: {  	s7 =	sld [smem:$0x3FA0]  }
0x1a: {  	s8 =	sadd.s32 $0xFFFFE003, lr  }
0x1b: {  	s9 =	sadd.s32 $0xFFFFFEF7, lr;
	s5 =	simm.s32 $0xFFFFFFFF;
	p2 =	slt.u32 s8, $0xFFFFF086  }
0x1c: {  	p1 =	slt.u32 s9, $0xF7A;
	s5 =	simm.s32 @!p2 $0x0  }
0x1d: {  	s5 =	simm.s32 @p1 $0x1;
	p0 =	seq.s32 s7, s2  }
0x1e: {  	s7 =	smul.u32 @!p0 $0xF7A, s2;
	p2 =	seq.s32 @!p0 s5, $0x0  }
0x1f: {  	s9 =	smul.u32 $0xF7A, s1;
	s8 =	simm.s32 @!p0 $0x1BF5;
	p2 =	por !p2, p0  }
0x20: {  	[sflag:s8] =	ssyncset.s32 @!p0 $0xFFFFF086;
	s6 =	sadd.s32 @!p0 s3, s7;
	s7 =	simm.s32 @!p0 $0x108  }
0x21: {  	s3 =	sadd.s32 s3, s9;
	s6 =	sadd.s32 @!p0 $0x88, s6;
	s7 =	simm.s32 @p2 $0x1082  }
0x22: {  	[simem:s7], [sflag:s8] =	dma.local @!p0 [hbm:s6], $0xF7A  }
0x23: {  	s9 =	sor.u32 $0xD0000000, s2;
	s6 =	simm.s32 $0x108;
	_ =	swait.ge @!p0 [sflag:s8], $0x0  }
0x24: {  	s3 =	sadd.s32 $0x88, s3;
	s6 =	simm.s32 @!p1 $0x1082;
	[sflag:s4] =	ssyncset.s32 $0xFFFFF086  }
0x25: {  	[simem:s6], [sflag:s4] =	dma.local [hbm:s3], $0xF7A  }
0x26: {  	[smem:$0x3FA0] =	sst s1;
	(tag) =	ssettag s2;
	_ =	strace s9  }
0x27: {  	s1 =	sld [smem:$0x3FB0]  }
0x28: {  	s2 =	sld [smem:$0x3FB1]  }
0x29: {  	s4 =	sld [smem:$0x3FB3]  }
0x2a: {  	p0 =	seq.s32 s5, $0x0;
	s5 =	sld [smem:$0x3FB4]  }
0x2b: {  	s6 =	sld [smem:$0x3FB5]  }
0x2c: {  	s7 =	sld [smem:$0x3FB6]  }
0x2d: {  	s3 =	simm.s32 $0x108;
	s8 =	sld [smem:$0x3FB7]  }
0x2e: {  	s3 =	simm.s32 @!p0 $0x1082;
	s9 =	sld [smem:$0x3FB8]  }
0x2f: {  	lr =	sadd.s32 s0, s3;
	s0 =	sld [smem:$0x3FAF]  }
0x30: {  	s3 =	sld [smem:$0x3FB2]  }
0x31: {  	[smem:$0x3FBB] =	sst s10  }
0x32: {  	s10 =	sld [smem:$0x3FB9];
	_ =	sdelay $0x3  }
0x33: {  	p0 =	seq.s32 s10, $0x1;
	s10 =	sld [smem:$0x3FBB];
	_ =	sdelay $0x3  }
0x34: {  	[smem:$0x3FBB] =	sst s10  }
0x35: {  	s10 =	sld [smem:$0x3FBA];
	_ =	sdelay $0x3  }
0x36: {  	p1 =	seq.s32 s10, $0x1;
	s10 =	sld [smem:$0x3FBB];
	_ =	sdelay $0x3  }
0x37: {  	[smem:$0x3FBB] =	sst s10  }
0x38: {  	s10 =	sld [smem:$0x3FBC]  }
0x39: {  	_ = 	snop;
	(pc) =	sbr.ind lr, $3  }
0x3a: {  	_ = 	snop  }
0x3b: {  	_ = 	snop  }
0x3c: {  	p2 =	seq.s32 s10, $0x1;
	s10 =	sld [smem:$0x3FBB]  }
0x3d: {  	_ =	shalt  }
0x3e: {  	_ =	shalt  }
0x3f: {  	_ =	shalt  }
0x40: {  	_ =	shalt  }
0x41: {  	_ =	shalt  }
0x42: {  	_ =	shalt  }
0x43: {  	_ =	shalt  }
0x44: {  	_ =	shalt  }
0x45: {  	_ =	shalt  }
0x46: {  	_ =	shalt  }
0x47: {  	_ =	shalt  }
0x48: {  	_ =	shalt  }
0x49: {  	_ =	shalt  }
0x4a: {  	_ =	shalt  }
0x4b: {  	_ =	shalt  }
0x4c: {  	_ =	shalt  }
0x4d: {  	_ =	shalt  }
0x4e: {  	_ =	shalt  }
0x4f: {  	_ =	shalt  }
0x50: {  	_ =	shalt  }
0x51: {  	_ =	shalt  }
0x52: {  	_ =	shalt  }
0x53: {  	_ =	shalt  }
0x54: {  	_ =	shalt  }
0x55: {  	_ =	shalt  }
0x56: {  	_ =	shalt  }
0x57: {  	_ =	shalt  }
0x58: {  	_ =	shalt  }
0x59: {  	_ =	shalt  }
0x5a: {  	_ =	shalt  }
0x5b: {  	_ =	shalt  }
0x5c: {  	_ =	shalt  }
0x5d: {  	_ =	shalt  }
0x5e: {  	_ =	shalt  }
0x5f: {  	_ =	shalt  }
0x60: {  	_ =	shalt  }
0x61: {  	_ =	shalt  }
0x62: {  	_ =	shalt  }
0x63: {  	_ =	shalt  }
0x64: {  	_ =	shalt  }
0x65: {  	_ =	shalt  }
0x66: {  	_ =	shalt  }
0x67: {  	_ =	shalt  }
0x68: {  	_ =	shalt  }
0x69: {  	_ =	shalt  }
0x6a: {  	_ =	shalt  }
0x6b: {  	_ =	shalt  }
0x6c: {  	_ =	shalt  }
0x6d: {  	_ =	shalt  }
0x6e: {  	_ =	shalt  }
0x6f: {  	_ =	shalt  }
0x70: {  	_ =	shalt  }
0x71: {  	_ =	shalt  }
0x72: {  	_ =	shalt  }
0x73: {  	_ =	shalt  }
0x74: {  	_ =	shalt  }
0x75: {  	_ =	shalt  }
0x76: {  	_ =	shalt  }
0x77: {  	_ =	shalt  }
0x78: {  	_ =	shalt  }
0x79: {  	_ =	shalt  }
0x7a: {  	_ =	shalt  }
0x7b: {  	_ =	shalt  }
0x7c: {  	_ =	shalt  }
0x7d: {  	_ =	shalt  }
0x7e: {  	_ =	shalt  }
0x7f: {  	_ =	shalt  }
0x80: {  	_ =	shalt  }
0x81: {  	_ =	shalt  }
0x82: {  	_ =	shalt  }
0x83: {  	_ =	shalt  }
0x84: {  	_ =	shalt  }
0x85: {  	_ =	shalt  }
0x86: {  	_ =	shalt  }
0x87: {  	_ =	shalt  }
.Lfunc_end0:
.L_simem_size_0:
called_computation_lowered:
.L_overlay_start_0:
0x88: {  	s2 =	sld [smem:$0x3FD9]  }
0x89: {  	s3 =	sld [smem:$0x3FFE];
	_ =	sdelay $0x1  }
0x8a: {  	s1 =	srdreg.scid  }
0x8b: {  	s0 =	sand.u32 $0x1, s1  }
0x8c: {  	s15 =	sshll.u32 s0, $0xA;
	s2 =	sadd.s32 s3, s2  }
0x8d: {  	s2 =	sadd.s32 s2, s15  }
0x8e: {  	[smem:$0x3FC7] =	sst s2  }
0x8f: {  	_ = 	snop  }
0x90: {  	s2 =	sld [smem:$0x3FD0];
	_ =	sdelay $0x2  }
0x91: {  	s4 =	simm.s32 $0xA;
	s5 =	simm.s32 $0x10;
	s16 =	sld [smem:$0x3FC9]  }
0x92: {  	[smem:s5], [sflag:s4] =	dma.local [hbm:s2], $0x1  }
0x93: {  	_ =	swait.eq [sflag:s4], $0x1  }
0x94: {  	[sflag:s4] =	ssyncset.done $0x0  }
0x95: {  	s17 =	sld [smem:$0x10];
	[sflag:s4] =	ssyncadd.s32 $0xFFFFFFFF  }
0x96: {  	s18 =	sld [smem:$0x12];
	(tm) =	ssettm $0x1  }
0x97: {  	s19 =	sld [smem:$0x3FFB];
	_ =	sdelay $0x3  }
0x98: {  	_ =	strace s19  }
0x99: {  	s5 =	sld [smem:$0x3FFC];
	_ =	sdelay $0x3  }
0x9a: {  	_ =	strace s5  }
0x9b: {  	s5 =	sld [smem:$0x3FFD];
	_ =	sdelay $0x3  }
0x9c: {  	_ =	strace s5  }
0x9d: {  	_ =	strace $0x8FFFFFFF  }
0x9e: {  	s20 =	sld [smem:$0x3FDB];
	_ =	sdelay $0x1  }
0x9f: {  	s6 =	simm.s32 $_scs_section_size  }
0xa0: {  	s7 =	simm.s32 $_size__tile_overlayer_lowered;
	s8 =	simm.s32 $_tile_overlayer_lowered  }
0xa1: {  	s23 =	simm.s32 $0x1BFF;
	s22 =	sshll.u32 s8, $0x1;
	s5 =	sadd.s32 s6, s20  }
0xa2: {  	s9 =	simm.s32 $0x0;
	s21 =	sshll.u32 s7, $0x1;
	s7 =	sadd.s32 s22, s5  }
0xa3: {  	[timem:s9], [sflag:s23] =	dma.local [hbm:s7], s21  }
0xa4: {  	_ =	swait.ge [sflag:s23], s21  }
0xa5: {  	s6 =	ssub.s32 $0x0, s21;
	[sflag:s23] =	ssyncset.done $0x0  }
0xa6: {  	[sflag:s23] =	ssyncadd.s32 s6;
	_ =	sdelay $0x1  }
0xa7: {  	s24 =	simm.s32 $0x1B8B  }
0xa8: {  	_ =	swait.ge [sflag:s24], $0x1  }
0xa9: {  	[sflag:s24] =	ssyncset.done $0x0  }
0xaa: {  	s25 =	simm.s32 $0x1B8E;
	[sflag:s24] =	ssyncadd.s32 $0xFFFFFFFF  }
0xab: {  	s26 =	simm.s32 $execute0_lowered;
	[smem:$0x3FD2] =	sst s25  }
0xac: {  	s6 =	sshll.u32 s26, $0x1;
	_ =	strace $0x80000046;
	[dreg:$0x1] =	wrdreg $0xFFFFFFFF  }
0xad: {  	s28 =	simm.s32 $_size_execute0_lowered;
	s5 =	sadd.s32 s5, s6;
	[dreg:$0x0] =	wrdreg $0x0  }
0xae: {  	s6 =	sshll.u32 s28, $0x1;
	[dreg:$0x2] =	wrdreg s5  }
0xaf: {  	[dreg:$0x3] =	wrdreg s6  }
0xb0: {  	[dreg:$0x4] =	wrdreg $0xC0  }
0xb1: {  	_ =	task [dreg:s9], $0x5FFFF  }
0xb2: {  	[dreg:$0x1] =	wrdreg $0xFFFFFFFF  }
0xb3: {  	[dreg:$0x0] =	wrdreg $0x60  }
0xb4: {  	[dreg:$0x2] =	wrdreg s16  }
0xb5: {  	[dreg:$0x3] =	wrdreg s18  }
0xb6: {  	[dreg:$0x4] =	wrdreg s17  }
0xb7: {  	[dreg:$0x5] =	wrdreg $0x9  }
0xb8: {  	_ =	task.clear_ibuf [dreg:s9], $0x6FFFF;
	_ =	strace $0x90000046  }
0xb9: {  	s29 =	simm.s32 $0x9;
	_ =	strace $0x80000048  }
0xba: {  	_ =	swait.ge [sflag:s29], $0x1  }
0xbb: {  	[sflag:s29] =	ssyncadd.s32 $0xFFFFFFFF  }
0xbc: {  	_ =	strace $0x90000048  }
0xbd: {  	_ =	sfence  }
0xbe: {  	s30 =	sld [smem:$0x0];
	_ =	sdelay $0x2  }
0xbf: {  	s31 =	sshll.u32 s1, $0xD;
	s1 =	sshrl.u32 s1, $0x2  }
0xc0: {  	s3 =	sand.u32 $0x4000, s31;
	s1 =	sadd.s32 s1, s30  }
0xc1: {  	s0 =	sor.u32 s3, s0;
	s1 =	sshll.u32 s1, $0x11  }
0xc2: {  	s0 =	sor.u32 s1, s0  }
0xc3: {  	s0 =	sadd.s32 $0x8F2B, s0  }
0xc4: {  	[sflag:s0] =	ssyncadd.remote.s32 $0x1  }
0xc5: {  	_ =	sfence.sel $0xFFFF  }
0xc6: {  	[dreg:$0x0] =	wrdreg $0xFFFFFFFF;
	(pc) =	sbr.abs _section_cstart, $3  }
0xc7: {  	[dreg:$0x1] =	wrdreg $0xFFFFFFFF  }
0xc8: {  	_ =	task.clear_ibuf [dreg:s9], $0x2FFFF;
	_ =	strace $0x9FFFFFFF  }
0xc9: {  	(tm) =	ssettm $0x7FFFFFFF  }
tec
execute0_lowered:
.L_overlay_start_1:
0x0: {  	(tag) =	ssettag $0x1  }
0x1: {  	s1 =	rddreg [dreg:$0x0]  }
0x2: {  	s0 =	rddreg [dreg:$0x1]  }
0x3: {  	s2 =	rddreg [dreg:$0x2];
	s3 =	simm.s32 $0x0;
	s4 =	srdreg.scid  }
0x4: {  	s6 =	stileid.u32;
	s12 =	simm.s32 $0x900;
	s31 =	simm.s32 $0x9900  }
0x5: {  	s11 =	simm.s32 $0x17100;
	s13 =	simm.s32 $0x17900;
	s14 =	simm.s32 $0x18100  }
0x6: {  	s15 =	simm.s32 $0x18900;
	s16 =	simm.s32 $0x19100;
	s17 =	simm.s32 $0x19900  }
0x7: {  	s18 =	simm.s32 $0x1A100;
	s19 =	simm.s32 $0x1A900;
	s20 =	simm.s32 $0x1B100  }
0x8: {  	s21 =	simm.s32 $0x1;
	s22 =	simm.s32 $0x2;
	s23 =	simm.s32 $0x3  }
0x9: {  	s24 =	simm.s32 $0x4;
	s28 =	simm.s32 $0x6;
	s29 =	simm.s32 $0x0  }
0xa: {  	s4 =	sand.u32 $0x1, s4;
	s5 =	sshll.u32 s6, $0x1;
	s6 =	smul.u32 $0x1200, s6  }
0xb: {  	s7 =	ssub.s32 $0x2, s4;
	s5 =	sor.u32 s4, s5;
	s4 =	smul.u32 $0x900, s4  }
0xc: {  	[smem:$0x7FF] =	sst s3;
	s8 =	sshrl.u32 s7, $0x1;
	s5 =	smul.u32 $0x900, s5  }
0xd: {  	_ =	strace $0x80000047;
	s7 =	ssub.s32 s7, s8;
	s4 =	sadd.s32 s4, s6  }
0xe: {  	s5 =	sshrl.u32 s5, $0x3;
	s6 =	sshrl.u32 s4, $0x3;
	s25 =	sor.u32 $0x30, s4  }
0xf: {  	s4 =	sor.u32 $0x60, s4;
	s7 =	smax.u32 s7, $0x1;
	s9 =	smul.u32 $0x300, s6  }
0x10: {  	s26 =	sshrl.u32 s25, $0x3;
	s0 =	sadd.s32 s0, s5;
	s4 =	sshrl.u32 s4, $0x3  }
.Ltmp0:
0x11: {  	s5 =	sadd.s32 $0x100, s1;
	s6 =	sadd.s32 $0x200, s1;
	(pc) =	sbr.rel .LBB2_1-.Ltmp0, $4  }
0x12: {  	[dreg:$0x5] =	wrdreg s7;
	s25 =	simm.s32 $0x12900;
	s30 =	smul.u32 $0x300, s26  }
0x13: {  	v2 =	vlaneseq.u32;
	s7 =	simm.s32 $0x16900;
	[dreg:$0x4] =	wrdreg s0;
	s4 =	smul.u32 $0x300, s4  }
0x14: {  	vm0 =	vmmov $0xffff;
	v1 =	vshrl.u32 v2, $0x3;
	s26 =	simm.s32 $0x5;
	s8 =	sadd.s32 s9, s2;
	s9 =	sadd.s32 s30, s2  }
0x15: {  	v0 =	vand.u32 $0x7, v2;
	v2 =	vor.u32 $0x8, v2;
	v1 =	vmul.u32 $0x8, v1;
	s10 =	sadd.s32 s4, s2;
	s2 =	simm.s32 $0x15900;
	s4 =	simm.s32 $0x16100  }
.LBB2_8:
0x16: {  	_ =	swait.ge [sflag:s24], $0x9000  }
0x17: {  	[sflag:s24] =	ssyncset.done $0x0  }
0x18: {  	[sflag:s24] =	ssyncadd.s32 $0xFFFF7000  }
0x19: {  	_ =	swait.ge [sflag:s26], $0x9000  }
0x1a: {  	[sflag:s26] =	ssyncset.done $0x0  }
0x1b: {  	[sflag:s26] =	ssyncadd.s32 $0xFFFF7000  }
0x1c: {  	_ =	swait.ge [sflag:s28], $0x9000  }
0x1d: {  	s29 =	rddreg [dreg:$0x6]  }
0x1e: {  	s0 =	rddreg [dreg:$0x5];
	s29 =	sadd.s32 $0x1, s29  }
0x1f: {  	p0 =	sne.s32 s29, s0  }
.Ltmp1:
0x20: {  	_ = 	snop;
	(pc) =	sbr.rel @!p0 .LBB2_9-.Ltmp1, $3  }
0x21: {  	_ =	sdelay $0x1  }
0x22: {  	[sflag:s28] =	ssyncset.done $0x0  }
0x23: {  	[sflag:s28] =	ssyncadd.s32 $0xFFFF7000  }
.LBB2_1:
0x24: {  	s0 =	rddreg [dreg:$0x4]  }
0x25: {  	[tilespmem:s3], [sflag:$0x7] =	stream.linear.gather [hbm4b:s0+s3], $0x900, $0x38;
	[tilespmem:$0x1B900] =	vst v63  }
0x26: {  	[dreg:$0x6] =	wrdreg s29;
	s0 =	simm.s32 $0x7  }
0x27: {  	_ =	swait.ge [sflag:s0], $0x900  }
0x28: {  	[sflag:s0] =	ssyncset.done $0x0  }
0x29: {  	[sflag:s0] =	ssyncadd.s32 $0xFFFFF700  }
0x2a: {  	v3 =	vld [tilespmem:$0x0];
	_ =	sdelay $0x4  }
0x2b: {  	v4 =	vshrl.u32 v3, $0x3  }
0x2c: {  	v4 =	vmul.u32 $0x30, v4  }
0x2d: {  	v3 =	vand.u32 $0x7, v3  }
0x2e: {  	v3 =	vor.u32 v3, v4  }
0x2f: {  	v4 =	vperm.xlane v3, v0;
	_ =	sdelay $0x1  }
0x30: {  	v4 =	vadd.s32 v1, v4;
	_ =	sdelay $0x3  }
0x31: {  	v3 =	vperm.xlane v3, v2  }
0x32: {  	[tilespmem:s12], [sflag:$0x1] =	stream.indirect_vreg.gather [hbm4b:s1+s3], $0x80, v4, vm0, $0xb8;
	[tilespmem:$0x1B900] =	vst v63  }
0x33: {  	s0 =	simm.s32 $0x1100;
	v3 =	vadd.s32 v1, v3  }
0x34: {  	[tilespmem:s0], [sflag:$0x1] =	stream.indirect_vreg.gather [hbm4b:s5+s3], $0x80, v4, vm0, $0xb8;
	[tilespmem:$0x1B900] =	vst v63  }
0x35: {  	s0 =	simm.s32 $0x1900  }
0x36: {  	[tilespmem:s0], [sflag:$0x1] =	stream.indirect_vreg.gather [hbm4b:s6+s3], $0x80, v4, vm0, $0xb8;
	[tilespmem:$0x1B900] =	vst v63  }
0x37: {  	s0 =	simm.s32 $0x2100  }
0x38: {  	[tilespmem:s0], [sflag:$0x1] =	stream.indirect_vreg.gather [hbm4b:s1+s3], $0x80, v3, vm0, $0xb8;
	[tilespmem:$0x1B900] =	vst v63  }
0x39: {  	s0 =	simm.s32 $0x2900  }
0x3a: {  	[tilespmem:s0], [sflag:$0x1] =	stream.indirect_vreg.gather [hbm4b:s5+s3], $0x80, v3, vm0, $0xb8;
	[tilespmem:$0x1B900] =	vst v63  }
0x3b: {  	s0 =	simm.s32 $0x3100  }
0x3c: {  	[tilespmem:s0], [sflag:$0x1] =	stream.indirect_vreg.gather [hbm4b:s6+s3], $0x80, v3, vm0, $0xb8;
	[tilespmem:$0x1B900] =	vst v63  }
0x3d: {  	v3 =	vld [tilespmem:$0x10];
	_ =	sdelay $0x4  }
0x3e: {  	v56 =	vshrl.u32 v3, $0x3  }
0x3f: {  	v4 =	vmul.u32 $0x30, v56  }
0x40: {  	v3 =	vand.u32 $0x7, v3  }
0x41: {  	v3 =	vor.u32 v3, v4  }
0x42: {  	v4 =	vperm.xlane v3, v0;
	_ =	sdelay $0x1  }
0x43: {  	v4 =	vadd.s32 v1, v4;
	_ =	sdelay $0x3  }
0x44: {  	s0 =	simm.s32 $0x3900;
	v3 =	vperm.xlane v3, v2  }
0x45: {  	[tilespmem:s0], [sflag:$0x1] =	stream.indirect_vreg.gather [hbm4b:s1+s3], $0x80, v4, vm0, $0xb8;
	[tilespmem:$0x1B900] =	vst v63  }
0x46: {  	v3 =	vadd.s32 v1, v3;
	s0 =	simm.s32 $0x4100  }
0x47: {  	[tilespmem:s0], [sflag:$0x1] =	stream.indirect_vreg.gather [hbm4b:s5+s3], $0x80, v4, vm0, $0xb8;
	[tilespmem:$0x1B900] =	vst v63  }
0x48: {  	s0 =	simm.s32 $0x4900  }
0x49: {  	[tilespmem:s0], [sflag:$0x1] =	stream.indirect_vreg.gather [hbm4b:s6+s3], $0x80, v4, vm0, $0xb8;
	[tilespmem:$0x1B900] =	vst v63  }
0x4a: {  	s0 =	simm.s32 $0x5100  }
0x4b: {  	[tilespmem:s0], [sflag:$0x1] =	stream.indirect_vreg.gather [hbm4b:s1+s3], $0x80, v3, vm0, $0xb8;
	[tilespmem:$0x1B900] =	vst v63  }
0x4c: {  	s0 =	simm.s32 $0x5900  }
0x4d: {  	[tilespmem:s0], [sflag:$0x1] =	stream.indirect_vreg.gather [hbm4b:s5+s3], $0x80, v3, vm0, $0xb8;
	[tilespmem:$0x1B900] =	vst v63  }
0x4e: {  	s0 =	simm.s32 $0x6100  }
0x4f: {  	[tilespmem:s0], [sflag:$0x1] =	stream.indirect_vreg.gather [hbm4b:s6+s3], $0x80, v3, vm0, $0xb8;
	[tilespmem:$0x1B900] =	vst v63  }
0x50: {  	v3 =	vld [tilespmem:$0x20];
	_ =	sdelay $0x4  }
0x51: {  	v57 =	vshrl.u32 v3, $0x3  }
0x52: {  	v4 =	vmul.u32 $0x30, v57  }
0x53: {  	v3 =	vand.u32 $0x7, v3  }
0x54: {  	v3 =	vor.u32 v3, v4  }
0x55: {  	v4 =	vperm.xlane v3, v0;
	_ =	sdelay $0x1  }
0x56: {  	v4 =	vadd.s32 v1, v4;
	_ =	sdelay $0x3  }
0x57: {  	s0 =	simm.s32 $0x6900;
	v3 =	vperm.xlane v3, v2  }
0x58: {  	[tilespmem:s0], [sflag:$0x1] =	stream.indirect_vreg.gather [hbm4b:s1+s3], $0x80, v4, vm0, $0xb8;
	[tilespmem:$0x1B900] =	vst v63  }
0x59: {  	v3 =	vadd.s32 v1, v3;
	s0 =	simm.s32 $0x7100  }
0x5a: {  	[tilespmem:s0], [sflag:$0x1] =	stream.indirect_vreg.gather [hbm4b:s5+s3], $0x80, v4, vm0, $0xb8;
	[tilespmem:$0x1B900] =	vst v63  }
0x5b: {  	s0 =	simm.s32 $0x7900  }
0x5c: {  	[tilespmem:s0], [sflag:$0x1] =	stream.indirect_vreg.gather [hbm4b:s6+s3], $0x80, v4, vm0, $0xb8;
	[tilespmem:$0x1B900] =	vst v63  }
0x5d: {  	s0 =	simm.s32 $0x8100  }
0x5e: {  	[tilespmem:s0], [sflag:$0x1] =	stream.indirect_vreg.gather [hbm4b:s1+s3], $0x80, v3, vm0, $0xb8;
	[tilespmem:$0x1B900] =	vst v63  }
0x5f: {  	s0 =	simm.s32 $0x8900  }
0x60: {  	[tilespmem:s0], [sflag:$0x1] =	stream.indirect_vreg.gather [hbm4b:s5+s3], $0x80, v3, vm0, $0xb8;
	[tilespmem:$0x1B900] =	vst v63  }
0x61: {  	s0 =	simm.s32 $0x9100  }
0x62: {  	[tilespmem:s0], [sflag:$0x1] =	stream.indirect_vreg.gather [hbm4b:s6+s3], $0x80, v3, vm0, $0xb8;
	[tilespmem:$0x1B900] =	vst v63  }
0x63: {  	v3 =	vld [tilespmem:$0x30];
	_ =	sdelay $0x4  }
0x64: {  	v58 =	vshrl.u32 v3, $0x3  }
0x65: {  	v4 =	vmul.u32 $0x30, v58  }
0x66: {  	v3 =	vand.u32 $0x7, v3  }
0x67: {  	v3 =	vor.u32 v3, v4  }
0x68: {  	v4 =	vperm.xlane v3, v0;
	_ =	sdelay $0x1  }
0x69: {  	v4 =	vadd.s32 v1, v4;
	_ =	sdelay $0x3  }
0x6a: {  	v3 =	vperm.xlane v3, v2  }
0x6b: {  	[tilespmem:s31], [sflag:$0x2] =	stream.indirect_vreg.gather [hbm4b:s1+s3], $0x80, v4, vm0, $0xb8;
	[tilespmem:$0x1B900] =	vst v63  }
0x6c: {  	s0 =	simm.s32 $0xA100;
	v3 =	vadd.s32 v1, v3  }
0x6d: {  	[tilespmem:s0], [sflag:$0x2] =	stream.indirect_vreg.gather [hbm4b:s5+s3], $0x80, v4, vm0, $0xb8;
	[tilespmem:$0x1B900] =	vst v63  }
0x6e: {  	s0 =	simm.s32 $0xA900  }
0x6f: {  	[tilespmem:s0], [sflag:$0x2] =	stream.indirect_vreg.gather [hbm4b:s6+s3], $0x80, v4, vm0, $0xb8;
	[tilespmem:$0x1B900] =	vst v63  }
0x70: {  	s0 =	simm.s32 $0xB100  }
0x71: {  	[tilespmem:s0], [sflag:$0x2] =	stream.indirect_vreg.gather [hbm4b:s1+s3], $0x80, v3, vm0, $0xb8;
	[tilespmem:$0x1B900] =	vst v63  }
0x72: {  	s0 =	simm.s32 $0xB900  }
0x73: {  	[tilespmem:s0], [sflag:$0x2] =	stream.indirect_vreg.gather [hbm4b:s5+s3], $0x80, v3, vm0, $0xb8;
	[tilespmem:$0x1B900] =	vst v63  }
0x74: {  	s0 =	simm.s32 $0xC100  }
0x75: {  	[tilespmem:s0], [sflag:$0x2] =	stream.indirect_vreg.gather [hbm4b:s6+s3], $0x80, v3, vm0, $0xb8;
	[tilespmem:$0x1B900] =	vst v63  }
0x76: {  	v3 =	vld [tilespmem:$0x40];
	_ =	sdelay $0x4  }
0x77: {  	v59 =	vshrl.u32 v3, $0x3  }
0x78: {  	v4 =	vmul.u32 $0x30, v59  }
0x79: {  	v3 =	vand.u32 $0x7, v3  }
0x7a: {  	v3 =	vor.u32 v3, v4  }
0x7b: {  	v4 =	vperm.xlane v3, v0;
	_ =	sdelay $0x1  }
0x7c: {  	v4 =	vadd.s32 v1, v4;
	_ =	sdelay $0x3  }
0x7d: {  	s0 =	simm.s32 $0xC900;
	v3 =	vperm.xlane v3, v2  }
0x7e: {  	[tilespmem:s0], [sflag:$0x2] =	stream.indirect_vreg.gather [hbm4b:s1+s3], $0x80, v4, vm0, $0xb8;
	[tilespmem:$0x1B900] =	vst v63  }
0x7f: {  	v3 =	vadd.s32 v1, v3;
	s0 =	simm.s32 $0xD100  }
0x80: {  	[tilespmem:s0], [sflag:$0x2] =	stream.indirect_vreg.gather [hbm4b:s5+s3], $0x80, v4, vm0, $0xb8;
	[tilespmem:$0x1B900] =	vst v63  }
0x81: {  	s0 =	simm.s32 $0xD900  }
0x82: {  	[tilespmem:s0], [sflag:$0x2] =	stream.indirect_vreg.gather [hbm4b:s6+s3], $0x80, v4, vm0, $0xb8;
	[tilespmem:$0x1B900] =	vst v63  }
0x83: {  	s0 =	simm.s32 $0xE100  }
0x84: {  	[tilespmem:s0], [sflag:$0x2] =	stream.indirect_vreg.gather [hbm4b:s1+s3], $0x80, v3, vm0, $0xb8;
	[tilespmem:$0x1B900] =	vst v63  }
0x85: {  	s0 =	simm.s32 $0xE900  }
0x86: {  	[tilespmem:s0], [sflag:$0x2] =	stream.indirect_vreg.gather [hbm4b:s5+s3], $0x80, v3, vm0, $0xb8;
	[tilespmem:$0x1B900] =	vst v63  }
0x87: {  	s0 =	simm.s32 $0xF100  }
0x88: {  	[tilespmem:s0], [sflag:$0x2] =	stream.indirect_vreg.gather [hbm4b:s6+s3], $0x80, v3, vm0, $0xb8;
	[tilespmem:$0x1B900] =	vst v63  }
0x89: {  	v3 =	vld [tilespmem:$0x50];
	_ =	sdelay $0x4  }
0x8a: {  	v60 =	vshrl.u32 v3, $0x3  }
0x8b: {  	v4 =	vmul.u32 $0x30, v60  }
0x8c: {  	v3 =	vand.u32 $0x7, v3  }
0x8d: {  	v3 =	vor.u32 v3, v4  }
0x8e: {  	v4 =	vperm.xlane v3, v0;
	_ =	sdelay $0x1  }
0x8f: {  	v4 =	vadd.s32 v1, v4;
	_ =	sdelay $0x3  }
0x90: {  	s0 =	simm.s32 $0xF900;
	v3 =	vperm.xlane v3, v2  }
0x91: {  	[tilespmem:s0], [sflag:$0x2] =	stream.indirect_vreg.gather [hbm4b:s1+s3], $0x80, v4, vm0, $0xb8;
	[tilespmem:$0x1B900] =	vst v63  }
0x92: {  	v3 =	vadd.s32 v1, v3;
	s0 =	simm.s32 $0x10100  }
0x93: {  	[tilespmem:s0], [sflag:$0x2] =	stream.indirect_vreg.gather [hbm4b:s5+s3], $0x80, v4, vm0, $0xb8;
	[tilespmem:$0x1B900] =	vst v63  }
0x94: {  	s0 =	simm.s32 $0x10900  }
0x95: {  	[tilespmem:s0], [sflag:$0x2] =	stream.indirect_vreg.gather [hbm4b:s6+s3], $0x80, v4, vm0, $0xb8;
	[tilespmem:$0x1B900] =	vst v63  }
0x96: {  	s0 =	simm.s32 $0x11100  }
0x97: {  	[tilespmem:s0], [sflag:$0x2] =	stream.indirect_vreg.gather [hbm4b:s1+s3], $0x80, v3, vm0, $0xb8;
	[tilespmem:$0x1B900] =	vst v63  }
0x98: {  	s0 =	simm.s32 $0x11900  }
0x99: {  	[tilespmem:s0], [sflag:$0x2] =	stream.indirect_vreg.gather [hbm4b:s5+s3], $0x80, v3, vm0, $0xb8;
	[tilespmem:$0x1B900] =	vst v63  }
0x9a: {  	s0 =	simm.s32 $0x12100  }
0x9b: {  	[tilespmem:s0], [sflag:$0x2] =	stream.indirect_vreg.gather [hbm4b:s6+s3], $0x80, v3, vm0, $0xb8;
	[tilespmem:$0x1B900] =	vst v63  }
0x9c: {  	v3 =	vld [tilespmem:$0x60];
	_ =	sdelay $0x4  }
0x9d: {  	v61 =	vshrl.u32 v3, $0x3  }
0x9e: {  	v4 =	vmul.u32 $0x30, v61  }
0x9f: {  	v3 =	vand.u32 $0x7, v3  }
0xa0: {  	v3 =	vor.u32 v3, v4  }
0xa1: {  	v4 =	vperm.xlane v3, v0;
	_ =	sdelay $0x1  }
0xa2: {  	v4 =	vadd.s32 v1, v4;
	_ =	sdelay $0x3  }
0xa3: {  	v3 =	vperm.xlane v3, v2  }
0xa4: {  	[tilespmem:s25], [sflag:$0x3] =	stream.indirect_vreg.gather [hbm4b:s1+s3], $0x80, v4, vm0, $0xb8;
	[tilespmem:$0x1B900] =	vst v63  }
0xa5: {  	s0 =	simm.s32 $0x13100;
	v3 =	vadd.s32 v1, v3  }
0xa6: {  	[tilespmem:s0], [sflag:$0x3] =	stream.indirect_vreg.gather [hbm4b:s5+s3], $0x80, v4, vm0, $0xb8;
	[tilespmem:$0x1B900] =	vst v63  }
0xa7: {  	s0 =	simm.s32 $0x13900  }
0xa8: {  	[tilespmem:s0], [sflag:$0x3] =	stream.indirect_vreg.gather [hbm4b:s6+s3], $0x80, v4, vm0, $0xb8;
	[tilespmem:$0x1B900] =	vst v63  }
0xa9: {  	s0 =	simm.s32 $0x14100  }
0xaa: {  	[tilespmem:s0], [sflag:$0x3] =	stream.indirect_vreg.gather [hbm4b:s1+s3], $0x80, v3, vm0, $0xb8;
	[tilespmem:$0x1B900] =	vst v63  }
0xab: {  	s0 =	simm.s32 $0x14900  }
0xac: {  	[tilespmem:s0], [sflag:$0x3] =	stream.indirect_vreg.gather [hbm4b:s5+s3], $0x80, v3, vm0, $0xb8;
	[tilespmem:$0x1B900] =	vst v63  }
0xad: {  	s0 =	simm.s32 $0x15100  }
0xae: {  	[tilespmem:s0], [sflag:$0x3] =	stream.indirect_vreg.gather [hbm4b:s6+s3], $0x80, v3, vm0, $0xb8;
	[tilespmem:$0x1B900] =	vst v63  }
0xaf: {  	v3 =	vld [tilespmem:$0x70];
	_ =	sdelay $0x4  }
0xb0: {  	v62 =	vshrl.u32 v3, $0x3  }
0xb1: {  	v4 =	vmul.u32 $0x30, v62  }
0xb2: {  	v3 =	vand.u32 $0x7, v3  }
0xb3: {  	v3 =	vor.u32 v3, v4  }
0xb4: {  	v4 =	vperm.xlane v3, v0;
	_ =	sdelay $0x1  }
0xb5: {  	v4 =	vadd.s32 v1, v4;
	_ =	sdelay $0x3  }
0xb6: {  	v3 =	vperm.xlane v3, v2  }
0xb7: {  	[tilespmem:s2], [sflag:$0x3] =	stream.indirect_vreg.gather [hbm4b:s1+s3], $0x80, v4, vm0, $0xb8;
	[tilespmem:$0x1B900] =	vst v63  }
0xb8: {  	v3 =	vadd.s32 v1, v3  }
0xb9: {  	[tilespmem:s4], [sflag:$0x3] =	stream.indirect_vreg.gather [hbm4b:s5+s3], $0x80, v4, vm0, $0xb8;
	[tilespmem:$0x1B900] =	vst v63  }
0xba: {  	_ = 	snop  }
0xbb: {  	[tilespmem:s7], [sflag:$0x3] =	stream.indirect_vreg.gather [hbm4b:s6+s3], $0x80, v4, vm0, $0xb8;
	[tilespmem:$0x1B900] =	vst v63  }
0xbc: {  	_ = 	snop  }
0xbd: {  	[tilespmem:s11], [sflag:$0x3] =	stream.indirect_vreg.gather [hbm4b:s1+s3], $0x80, v3, vm0, $0xb8;
	[tilespmem:$0x1B900] =	vst v63  }
0xbe: {  	_ = 	snop  }
0xbf: {  	[tilespmem:s13], [sflag:$0x3] =	stream.indirect_vreg.gather [hbm4b:s5+s3], $0x80, v3, vm0, $0xb8;
	[tilespmem:$0x1B900] =	vst v63  }
0xc0: {  	_ = 	snop  }
0xc1: {  	[tilespmem:s14], [sflag:$0x3] =	stream.indirect_vreg.gather [hbm4b:s6+s3], $0x80, v3, vm0, $0xb8;
	[tilespmem:$0x1B900] =	vst v63  }
0xc2: {  	v3 =	vld [tilespmem:$0x80];
	_ =	sdelay $0x4  }
0xc3: {  	v63 =	vshrl.u32 v3, $0x3  }
0xc4: {  	v4 =	vmul.u32 $0x30, v63  }
0xc5: {  	v3 =	vand.u32 $0x7, v3  }
0xc6: {  	v3 =	vor.u32 v3, v4  }
0xc7: {  	v4 =	vperm.xlane v3, v0;
	_ =	sdelay $0x1  }
0xc8: {  	v4 =	vadd.s32 v1, v4;
	_ =	sdelay $0x3  }
0xc9: {  	v3 =	vperm.xlane v3, v2  }
0xca: {  	[tilespmem:s15], [sflag:$0x3] =	stream.indirect_vreg.gather [hbm4b:s1+s3], $0x80, v4, vm0, $0xb8;
	[tilespmem:$0x1B900] =	vst v63  }
0xcb: {  	v3 =	vadd.s32 v1, v3  }
0xcc: {  	[tilespmem:s16], [sflag:$0x3] =	stream.indirect_vreg.gather [hbm4b:s5+s3], $0x80, v4, vm0, $0xb8;
	[tilespmem:$0x1B900] =	vst v63  }
0xcd: {  	_ = 	snop  }
0xce: {  	[tilespmem:s17], [sflag:$0x3] =	stream.indirect_vreg.gather [hbm4b:s6+s3], $0x80, v4, vm0, $0xb8;
	[tilespmem:$0x1B900] =	vst v63  }
0xcf: {  	_ = 	snop  }
0xd0: {  	[tilespmem:s18], [sflag:$0x3] =	stream.indirect_vreg.gather [hbm4b:s1+s3], $0x80, v3, vm0, $0xb8;
	[tilespmem:$0x1B900] =	vst v63  }
0xd1: {  	_ = 	snop  }
0xd2: {  	[tilespmem:s19], [sflag:$0x3] =	stream.indirect_vreg.gather [hbm4b:s5+s3], $0x80, v3, vm0, $0xb8;
	[tilespmem:$0x1B900] =	vst v63  }
0xd3: {  	s29 =	simm.s32 $0x110;
	s30 =	simm.s32 $0x0  }
0xd4: {  	[tilespmem:s20], [sflag:$0x3] =	stream.indirect_vreg.gather [hbm4b:s6+s3], $0x80, v3, vm0, $0xb8;
	[tilespmem:$0x1B900] =	vst v63  }
.LBB2_2:
0xd5: {  	p0 =	seq.s32 s30, $0x32A00  }
.Ltmp2:
0xd6: {  	_ = 	snop;
	(pc) =	sbr.rel @p0 .LBB2_4-.Ltmp2, $4  }
0xd7: {  	_ =	swait.ge [sflag:s21], $0x9000  }
0xd8: {  	[sflag:s21] =	ssyncset.done $0x0  }
0xd9: {  	s0 =	sadd.s32 s30, s8;
	[sflag:s21] =	ssyncadd.s32 $0xFFFF7000  }
0xda: {  	[hbm4b:s0+s3] =	stream.linear.scatter [tilespmem:s12], [sflag:$0x4], $0x9000, $0x38;
	[tilespmem:$0x1B900] =	vst v63  }
0xdb: {  	_ =	swait.ge [sflag:s24], $0x9000  }
0xdc: {  	[sflag:s24] =	ssyncset.done $0x0  }
0xdd: {  	[sflag:s24] =	ssyncadd.s32 $0xFFFF7000  }
0xde: {  	v3 =	vld [tilespmem:s29+$0xFFFFFF80];
	_ =	sdelay $0x4  }
0xdf: {  	v4 =	vshrl.u32 v3, $0x3  }
0xe0: {  	v4 =	vmul.u32 $0x30, v4  }
0xe1: {  	v3 =	vand.u32 $0x7, v3  }
0xe2: {  	v3 =	vor.u32 v3, v4  }
0xe3: {  	v4 =	vperm.xlane v3, v0;
	_ =	sdelay $0x1  }
0xe4: {  	v4 =	vadd.s32 v1, v4;
	_ =	sdelay $0x3  }
0xe5: {  	v3 =	vperm.xlane v3, v2  }
0xe6: {  	[tilespmem:s12], [sflag:$0x1] =	stream.indirect_vreg.gather [hbm4b:s1+s3], $0x80, v4, vm0, $0xb8;
	[tilespmem:$0x1B900] =	vst v63  }
0xe7: {  	s0 =	simm.s32 $0x1100;
	v3 =	vadd.s32 v1, v3  }
0xe8: {  	[tilespmem:s0], [sflag:$0x1] =	stream.indirect_vreg.gather [hbm4b:s5+s3], $0x80, v4, vm0, $0xb8;
	[tilespmem:$0x1B900] =	vst v63  }
0xe9: {  	s0 =	simm.s32 $0x1900  }
0xea: {  	[tilespmem:s0], [sflag:$0x1] =	stream.indirect_vreg.gather [hbm4b:s6+s3], $0x80, v4, vm0, $0xb8;
	[tilespmem:$0x1B900] =	vst v63  }
0xeb: {  	s0 =	simm.s32 $0x2100  }
0xec: {  	[tilespmem:s0], [sflag:$0x1] =	stream.indirect_vreg.gather [hbm4b:s1+s3], $0x80, v3, vm0, $0xb8;
	[tilespmem:$0x1B900] =	vst v63  }
0xed: {  	s0 =	simm.s32 $0x2900  }
0xee: {  	[tilespmem:s0], [sflag:$0x1] =	stream.indirect_vreg.gather [hbm4b:s5+s3], $0x80, v3, vm0, $0xb8;
	[tilespmem:$0x1B900] =	vst v63  }
0xef: {  	s0 =	simm.s32 $0x3100  }
0xf0: {  	[tilespmem:s0], [sflag:$0x1] =	stream.indirect_vreg.gather [hbm4b:s6+s3], $0x80, v3, vm0, $0xb8;
	[tilespmem:$0x1B900] =	vst v63  }
0xf1: {  	v3 =	vld [tilespmem:s29+$0xFFFFFF90];
	_ =	sdelay $0x4  }
0xf2: {  	v62 =	vshrl.u32 v3, $0x3  }
0xf3: {  	v4 =	vmul.u32 $0x30, v62  }
0xf4: {  	v3 =	vand.u32 $0x7, v3  }
0xf5: {  	v3 =	vor.u32 v3, v4  }
0xf6: {  	v4 =	vperm.xlane v3, v0;
	_ =	sdelay $0x1  }
0xf7: {  	v4 =	vadd.s32 v1, v4;
	_ =	sdelay $0x3  }
0xf8: {  	s0 =	simm.s32 $0x3900;
	v3 =	vperm.xlane v3, v2  }
0xf9: {  	[tilespmem:s0], [sflag:$0x1] =	stream.indirect_vreg.gather [hbm4b:s1+s3], $0x80, v4, vm0, $0xb8;
	[tilespmem:$0x1B900] =	vst v63  }
0xfa: {  	v3 =	vadd.s32 v1, v3;
	s0 =	simm.s32 $0x4100  }
0xfb: {  	[tilespmem:s0], [sflag:$0x1] =	stream.indirect_vreg.gather [hbm4b:s5+s3], $0x80, v4, vm0, $0xb8;
	[tilespmem:$0x1B900] =	vst v63  }
0xfc: {  	s0 =	simm.s32 $0x4900  }
0xfd: {  	[tilespmem:s0], [sflag:$0x1] =	stream.indirect_vreg.gather [hbm4b:s6+s3], $0x80, v4, vm0, $0xb8;
	[tilespmem:$0x1B900] =	vst v63  }
0xfe: {  	s0 =	simm.s32 $0x5100  }
0xff: {  	[tilespmem:s0], [sflag:$0x1] =	stream.indirect_vreg.gather [hbm4b:s1+s3], $0x80, v3, vm0, $0xb8;
	[tilespmem:$0x1B900] =	vst v63  }
0x100: {  	s0 =	simm.s32 $0x5900  }
0x101: {  	[tilespmem:s0], [sflag:$0x1] =	stream.indirect_vreg.gather [hbm4b:s5+s3], $0x80, v3, vm0, $0xb8;
	[tilespmem:$0x1B900] =	vst v63  }
0x102: {  	s0 =	simm.s32 $0x6100  }
0x103: {  	[tilespmem:s0], [sflag:$0x1] =	stream.indirect_vreg.gather [hbm4b:s6+s3], $0x80, v3, vm0, $0xb8;
	[tilespmem:$0x1B900] =	vst v63  }
0x104: {  	v3 =	vld [tilespmem:s29+$0xFFFFFFA0];
	_ =	sdelay $0x4  }
0x105: {  	v63 =	vshrl.u32 v3, $0x3  }
0x106: {  	v4 =	vmul.u32 $0x30, v63  }
0x107: {  	v3 =	vand.u32 $0x7, v3  }
0x108: {  	v3 =	vor.u32 v3, v4  }
0x109: {  	v4 =	vperm.xlane v3, v0;
	_ =	sdelay $0x1  }
0x10a: {  	v4 =	vadd.s32 v1, v4;
	_ =	sdelay $0x3  }
0x10b: {  	s0 =	simm.s32 $0x6900;
	v3 =	vperm.xlane v3, v2  }
0x10c: {  	[tilespmem:s0], [sflag:$0x1] =	stream.indirect_vreg.gather [hbm4b:s1+s3], $0x80, v4, vm0, $0xb8;
	[tilespmem:$0x1B900] =	vst v63  }
0x10d: {  	v3 =	vadd.s32 v1, v3;
	s0 =	simm.s32 $0x7100  }
0x10e: {  	[tilespmem:s0], [sflag:$0x1] =	stream.indirect_vreg.gather [hbm4b:s5+s3], $0x80, v4, vm0, $0xb8;
	[tilespmem:$0x1B900] =	vst v63  }
0x10f: {  	s0 =	simm.s32 $0x7900  }
0x110: {  	[tilespmem:s0], [sflag:$0x1] =	stream.indirect_vreg.gather [hbm4b:s6+s3], $0x80, v4, vm0, $0xb8;
	[tilespmem:$0x1B900] =	vst v63  }
0x111: {  	s0 =	simm.s32 $0x8100  }
0x112: {  	[tilespmem:s0], [sflag:$0x1] =	stream.indirect_vreg.gather [hbm4b:s1+s3], $0x80, v3, vm0, $0xb8;
	[tilespmem:$0x1B900] =	vst v63  }
0x113: {  	s0 =	simm.s32 $0x8900  }
0x114: {  	[tilespmem:s0], [sflag:$0x1] =	stream.indirect_vreg.gather [hbm4b:s5+s3], $0x80, v3, vm0, $0xb8;
	[tilespmem:$0x1B900] =	vst v63  }
0x115: {  	s0 =	simm.s32 $0x9100  }
0x116: {  	[tilespmem:s0], [sflag:$0x1] =	stream.indirect_vreg.gather [hbm4b:s6+s3], $0x80, v3, vm0, $0xb8;
	[tilespmem:$0x1B900] =	vst v63  }
.LBB2_4:
.Ltmp3:
0x117: {  	(pc) =	sbr.rel @p0 .LBB2_6-.Ltmp3, $4  }
0x118: {  	_ =	swait.ge [sflag:s22], $0x9000  }
0x119: {  	[sflag:s22] =	ssyncset.done $0x0  }
0x11a: {  	s0 =	sadd.s32 s30, s9;
	[sflag:s22] =	ssyncadd.s32 $0xFFFF7000  }
0x11b: {  	[hbm4b:s0+s3] =	stream.linear.scatter [tilespmem:s31], [sflag:$0x5], $0x9000, $0x38;
	[tilespmem:$0x1B900] =	vst v63  }
0x11c: {  	_ =	swait.ge [sflag:s26], $0x9000  }
0x11d: {  	[sflag:s26] =	ssyncset.done $0x0  }
0x11e: {  	[sflag:s26] =	ssyncadd.s32 $0xFFFF7000  }
0x11f: {  	v3 =	vld [tilespmem:s29+$0xFFFFFFB0];
	_ =	sdelay $0x4  }
0x120: {  	v4 =	vshrl.u32 v3, $0x3  }
0x121: {  	v4 =	vmul.u32 $0x30, v4  }
0x122: {  	v3 =	vand.u32 $0x7, v3  }
0x123: {  	v3 =	vor.u32 v3, v4  }
0x124: {  	v4 =	vperm.xlane v3, v0;
	_ =	sdelay $0x1  }
0x125: {  	v4 =	vadd.s32 v1, v4;
	_ =	sdelay $0x3  }
0x126: {  	v3 =	vperm.xlane v3, v2  }
0x127: {  	[tilespmem:s31], [sflag:$0x2] =	stream.indirect_vreg.gather [hbm4b:s1+s3], $0x80, v4, vm0, $0xb8;
	[tilespmem:$0x1B900] =	vst v63  }
0x128: {  	s0 =	simm.s32 $0xA100;
	v3 =	vadd.s32 v1, v3  }
0x129: {  	[tilespmem:s0], [sflag:$0x2] =	stream.indirect_vreg.gather [hbm4b:s5+s3], $0x80, v4, vm0, $0xb8;
	[tilespmem:$0x1B900] =	vst v63  }
0x12a: {  	s0 =	simm.s32 $0xA900  }
0x12b: {  	[tilespmem:s0], [sflag:$0x2] =	stream.indirect_vreg.gather [hbm4b:s6+s3], $0x80, v4, vm0, $0xb8;
	[tilespmem:$0x1B900] =	vst v63  }
0x12c: {  	s0 =	simm.s32 $0xB100  }
0x12d: {  	[tilespmem:s0], [sflag:$0x2] =	stream.indirect_vreg.gather [hbm4b:s1+s3], $0x80, v3, vm0, $0xb8;
	[tilespmem:$0x1B900] =	vst v63  }
0x12e: {  	s0 =	simm.s32 $0xB900  }
0x12f: {  	[tilespmem:s0], [sflag:$0x2] =	stream.indirect_vreg.gather [hbm4b:s5+s3], $0x80, v3, vm0, $0xb8;
	[tilespmem:$0x1B900] =	vst v63  }
0x130: {  	s0 =	simm.s32 $0xC100  }
0x131: {  	[tilespmem:s0], [sflag:$0x2] =	stream.indirect_vreg.gather [hbm4b:s6+s3], $0x80, v3, vm0, $0xb8;
	[tilespmem:$0x1B900] =	vst v63  }
0x132: {  	v3 =	vld [tilespmem:s29+$0xFFFFFFC0];
	_ =	sdelay $0x4  }
0x133: {  	v62 =	vshrl.u32 v3, $0x3  }
0x134: {  	v4 =	vmul.u32 $0x30, v62  }
0x135: {  	v3 =	vand.u32 $0x7, v3  }
0x136: {  	v3 =	vor.u32 v3, v4  }
0x137: {  	v4 =	vperm.xlane v3, v0;
	_ =	sdelay $0x1  }
0x138: {  	v4 =	vadd.s32 v1, v4;
	_ =	sdelay $0x3  }
0x139: {  	s0 =	simm.s32 $0xC900;
	v3 =	vperm.xlane v3, v2  }
0x13a: {  	[tilespmem:s0], [sflag:$0x2] =	stream.indirect_vreg.gather [hbm4b:s1+s3], $0x80, v4, vm0, $0xb8;
	[tilespmem:$0x1B900] =	vst v63  }
0x13b: {  	v3 =	vadd.s32 v1, v3;
	s0 =	simm.s32 $0xD100  }
0x13c: {  	[tilespmem:s0], [sflag:$0x2] =	stream.indirect_vreg.gather [hbm4b:s5+s3], $0x80, v4, vm0, $0xb8;
	[tilespmem:$0x1B900] =	vst v63  }
0x13d: {  	s0 =	simm.s32 $0xD900  }
0x13e: {  	[tilespmem:s0], [sflag:$0x2] =	stream.indirect_vreg.gather [hbm4b:s6+s3], $0x80, v4, vm0, $0xb8;
	[tilespmem:$0x1B900] =	vst v63  }
0x13f: {  	s0 =	simm.s32 $0xE100  }
0x140: {  	[tilespmem:s0], [sflag:$0x2] =	stream.indirect_vreg.gather [hbm4b:s1+s3], $0x80, v3, vm0, $0xb8;
	[tilespmem:$0x1B900] =	vst v63  }
0x141: {  	s0 =	simm.s32 $0xE900  }
0x142: {  	[tilespmem:s0], [sflag:$0x2] =	stream.indirect_vreg.gather [hbm4b:s5+s3], $0x80, v3, vm0, $0xb8;
	[tilespmem:$0x1B900] =	vst v63  }
0x143: {  	s0 =	simm.s32 $0xF100  }
0x144: {  	[tilespmem:s0], [sflag:$0x2] =	stream.indirect_vreg.gather [hbm4b:s6+s3], $0x80, v3, vm0, $0xb8;
	[tilespmem:$0x1B900] =	vst v63  }
0x145: {  	v3 =	vld [tilespmem:s29+$0xFFFFFFD0];
	_ =	sdelay $0x4  }
0x146: {  	v63 =	vshrl.u32 v3, $0x3  }
0x147: {  	v4 =	vmul.u32 $0x30, v63  }
0x148: {  	v3 =	vand.u32 $0x7, v3  }
0x149: {  	v3 =	vor.u32 v3, v4  }
0x14a: {  	v4 =	vperm.xlane v3, v0;
	_ =	sdelay $0x1  }
0x14b: {  	v4 =	vadd.s32 v1, v4;
	_ =	sdelay $0x3  }
0x14c: {  	s0 =	simm.s32 $0xF900;
	v3 =	vperm.xlane v3, v2  }
0x14d: {  	[tilespmem:s0], [sflag:$0x2] =	stream.indirect_vreg.gather [hbm4b:s1+s3], $0x80, v4, vm0, $0xb8;
	[tilespmem:$0x1B900] =	vst v63  }
0x14e: {  	v3 =	vadd.s32 v1, v3;
	s0 =	simm.s32 $0x10100  }
0x14f: {  	[tilespmem:s0], [sflag:$0x2] =	stream.indirect_vreg.gather [hbm4b:s5+s3], $0x80, v4, vm0, $0xb8;
	[tilespmem:$0x1B900] =	vst v63  }
0x150: {  	s0 =	simm.s32 $0x10900  }
0x151: {  	[tilespmem:s0], [sflag:$0x2] =	stream.indirect_vreg.gather [hbm4b:s6+s3], $0x80, v4, vm0, $0xb8;
	[tilespmem:$0x1B900] =	vst v63  }
0x152: {  	s0 =	simm.s32 $0x11100  }
0x153: {  	[tilespmem:s0], [sflag:$0x2] =	stream.indirect_vreg.gather [hbm4b:s1+s3], $0x80, v3, vm0, $0xb8;
	[tilespmem:$0x1B900] =	vst v63  }
0x154: {  	s0 =	simm.s32 $0x11900  }
0x155: {  	[tilespmem:s0], [sflag:$0x2] =	stream.indirect_vreg.gather [hbm4b:s5+s3], $0x80, v3, vm0, $0xb8;
	[tilespmem:$0x1B900] =	vst v63  }
0x156: {  	s0 =	simm.s32 $0x12100  }
0x157: {  	[tilespmem:s0], [sflag:$0x2] =	stream.indirect_vreg.gather [hbm4b:s6+s3], $0x80, v3, vm0, $0xb8;
	[tilespmem:$0x1B900] =	vst v63  }
.LBB2_6:
.Ltmp4:
0x158: {  	(pc) =	sbr.rel @p0 .LBB2_8-.Ltmp4, $4  }
0x159: {  	_ =	swait.ge [sflag:s23], $0x9000  }
0x15a: {  	[sflag:s23] =	ssyncset.done $0x0  }
0x15b: {  	s0 =	sadd.s32 s30, s10;
	[sflag:s23] =	ssyncadd.s32 $0xFFFF7000  }
0x15c: {  	[hbm4b:s0+s3] =	stream.linear.scatter [tilespmem:s25], [sflag:$0x6], $0x9000, $0x38;
	[tilespmem:$0x1B900] =	vst v63  }
0x15d: {  	_ =	swait.ge [sflag:s28], $0x9000  }
0x15e: {  	[sflag:s28] =	ssyncset.done $0x0  }
0x15f: {  	[sflag:s28] =	ssyncadd.s32 $0xFFFF7000  }
0x160: {  	v3 =	vld [tilespmem:s29+$0xFFFFFFE0];
	_ =	sdelay $0x4  }
0x161: {  	v4 =	vshrl.u32 v3, $0x3  }
0x162: {  	v4 =	vmul.u32 $0x30, v4  }
0x163: {  	v3 =	vand.u32 $0x7, v3  }
0x164: {  	v3 =	vor.u32 v3, v4  }
0x165: {  	v4 =	vperm.xlane v3, v0;
	_ =	sdelay $0x1  }
0x166: {  	v4 =	vadd.s32 v1, v4;
	_ =	sdelay $0x3  }
0x167: {  	v3 =	vperm.xlane v3, v2  }
0x168: {  	[tilespmem:s25], [sflag:$0x3] =	stream.indirect_vreg.gather [hbm4b:s1+s3], $0x80, v4, vm0, $0xb8;
	[tilespmem:$0x1B900] =	vst v63  }
0x169: {  	s0 =	simm.s32 $0x13100;
	v3 =	vadd.s32 v1, v3  }
0x16a: {  	[tilespmem:s0], [sflag:$0x3] =	stream.indirect_vreg.gather [hbm4b:s5+s3], $0x80, v4, vm0, $0xb8;
	[tilespmem:$0x1B900] =	vst v63  }
0x16b: {  	s0 =	simm.s32 $0x13900  }
0x16c: {  	[tilespmem:s0], [sflag:$0x3] =	stream.indirect_vreg.gather [hbm4b:s6+s3], $0x80, v4, vm0, $0xb8;
	[tilespmem:$0x1B900] =	vst v63  }
0x16d: {  	s0 =	simm.s32 $0x14100  }
0x16e: {  	[tilespmem:s0], [sflag:$0x3] =	stream.indirect_vreg.gather [hbm4b:s1+s3], $0x80, v3, vm0, $0xb8;
	[tilespmem:$0x1B900] =	vst v63  }
0x16f: {  	s0 =	simm.s32 $0x14900  }
0x170: {  	[tilespmem:s0], [sflag:$0x3] =	stream.indirect_vreg.gather [hbm4b:s5+s3], $0x80, v3, vm0, $0xb8;
	[tilespmem:$0x1B900] =	vst v63  }
0x171: {  	s0 =	simm.s32 $0x15100  }
0x172: {  	[tilespmem:s0], [sflag:$0x3] =	stream.indirect_vreg.gather [hbm4b:s6+s3], $0x80, v3, vm0, $0xb8;
	[tilespmem:$0x1B900] =	vst v63  }
0x173: {  	v3 =	vld [tilespmem:s29+$0xFFFFFFF0];
	_ =	sdelay $0x4  }
0x174: {  	v62 =	vshrl.u32 v3, $0x3  }
0x175: {  	v4 =	vmul.u32 $0x30, v62  }
0x176: {  	v3 =	vand.u32 $0x7, v3  }
0x177: {  	v3 =	vor.u32 v3, v4  }
0x178: {  	v4 =	vperm.xlane v3, v0;
	_ =	sdelay $0x1  }
0x179: {  	v4 =	vadd.s32 v1, v4;
	_ =	sdelay $0x3  }
0x17a: {  	v3 =	vperm.xlane v3, v2  }
0x17b: {  	[tilespmem:s2], [sflag:$0x3] =	stream.indirect_vreg.gather [hbm4b:s1+s3], $0x80, v4, vm0, $0xb8;
	[tilespmem:$0x1B900] =	vst v63  }
0x17c: {  	v3 =	vadd.s32 v1, v3  }
0x17d: {  	[tilespmem:s4], [sflag:$0x3] =	stream.indirect_vreg.gather [hbm4b:s5+s3], $0x80, v4, vm0, $0xb8;
	[tilespmem:$0x1B900] =	vst v63  }
0x17e: {  	_ = 	snop  }
0x17f: {  	[tilespmem:s7], [sflag:$0x3] =	stream.indirect_vreg.gather [hbm4b:s6+s3], $0x80, v4, vm0, $0xb8;
	[tilespmem:$0x1B900] =	vst v63  }
0x180: {  	_ = 	snop  }
0x181: {  	[tilespmem:s11], [sflag:$0x3] =	stream.indirect_vreg.gather [hbm4b:s1+s3], $0x80, v3, vm0, $0xb8;
	[tilespmem:$0x1B900] =	vst v63  }
0x182: {  	_ = 	snop  }
0x183: {  	[tilespmem:s13], [sflag:$0x3] =	stream.indirect_vreg.gather [hbm4b:s5+s3], $0x80, v3, vm0, $0xb8;
	[tilespmem:$0x1B900] =	vst v63  }
0x184: {  	_ = 	snop  }
0x185: {  	[tilespmem:s14], [sflag:$0x3] =	stream.indirect_vreg.gather [hbm4b:s6+s3], $0x80, v3, vm0, $0xb8;
	[tilespmem:$0x1B900] =	vst v63  }
0x186: {  	v3 =	vld [tilespmem:s29+$0x0];
	_ =	sdelay $0x4  }
0x187: {  	v63 =	vshrl.u32 v3, $0x3  }
0x188: {  	v4 =	vmul.u32 $0x30, v63  }
0x189: {  	v3 =	vand.u32 $0x7, v3  }
0x18a: {  	v3 =	vor.u32 v3, v4  }
0x18b: {  	v4 =	vperm.xlane v3, v0;
	_ =	sdelay $0x1  }
0x18c: {  	v4 =	vadd.s32 v1, v4;
	_ =	sdelay $0x3  }
0x18d: {  	v3 =	vperm.xlane v3, v2  }
0x18e: {  	[tilespmem:s15], [sflag:$0x3] =	stream.indirect_vreg.gather [hbm4b:s1+s3], $0x80, v4, vm0, $0xb8;
	[tilespmem:$0x1B900] =	vst v63  }
0x18f: {  	v3 =	vadd.s32 v1, v3  }
0x190: {  	[tilespmem:s16], [sflag:$0x3] =	stream.indirect_vreg.gather [hbm4b:s5+s3], $0x80, v4, vm0, $0xb8;
	[tilespmem:$0x1B900] =	vst v63  }
0x191: {  	_ = 	snop  }
0x192: {  	[tilespmem:s17], [sflag:$0x3] =	stream.indirect_vreg.gather [hbm4b:s6+s3], $0x80, v4, vm0, $0xb8;
	[tilespmem:$0x1B900] =	vst v63  }
0x193: {  	_ = 	snop  }
0x194: {  	[tilespmem:s18], [sflag:$0x3] =	stream.indirect_vreg.gather [hbm4b:s1+s3], $0x80, v3, vm0, $0xb8;
	[tilespmem:$0x1B900] =	vst v63  }
.Ltmp5:
0x195: {  	_ = 	snop;
	(pc) =	sbr.rel .LBB2_2-.Ltmp5, $4  }
0x196: {  	_ = 	snop  }
0x197: {  	[tilespmem:s19], [sflag:$0x3] =	stream.indirect_vreg.gather [hbm4b:s5+s3], $0x80, v3, vm0, $0xb8;
	[tilespmem:$0x1B900] =	vst v63  }
0x198: {  	s30 =	sadd.s32 $0x3600, s30;
	s29 =	sadd.s32 $0x90, s29  }
0x199: {  	[tilespmem:s20], [sflag:$0x3] =	stream.indirect_vreg.gather [hbm4b:s6+s3], $0x80, v3, vm0, $0xb8;
	[tilespmem:$0x1B900] =	vst v63  }
.LBB2_9:
0x19a: {  	_ =	sfence.sel $0x180000  }
0x19b: {  	[bflag:$0x0] =	sbarrier.arrive $0xFFFF  }
0x19c: {  	_ =	strace $0x90000047  }
0x19d: {  	s0 =	stileid.u32;
	[bflag:$0x2] =	sbarrier.arrive $0xFFFF  }
0x19e: {  	p0 =	sne.s32 s0, $0x0;
	s0 =	rddreg [dreg:$0x3]  }
0x19f: {  	s0 =	sadd.s32 @!p0 $0x100000, s0  }
0x1a0: {  	[sflag:s0] =	ssyncadd.tile.s32 @!p0 $0x1;
	_ =	shalt  }
.Lfunc_end2:
_tile_overlayer_lowered:
.L_overlay_start_2:
0x1a1: {  	(tag) =	ssettag $0x2  }
0x1a2: {  	s0 =	rddreg [dreg:$0x0];
	s2 =	stileid.u32  }
0x1a3: {  	s1 =	rddreg [dreg:$0x1];
	p0 =	sne.s32 s2, $0x0  }
0x1a4: {  	s3 =	rddreg [dreg:$0x2];
	[bflag:$0x3] =	sbarrier.arrive $0xFFFF;
	s2 =	simm.s32 @!p0 $0x1C07  }
0x1a5: {  	[timem:s3], [sflag:s2] =	dma.local @!p0 [hbm:s0], s1  }
0x1a6: {  	s0 =	simm.s32 @!p0 $0x7  }
0x1a7: {  	_ =	swait.ge @!p0 [sflag:s0], s1  }
0x1a8: {  	s1 =	ssub.s32 @!p0 $0x0, s1;
	[sflag:s0] =	ssyncset.done @!p0 $0x0  }
0x1a9: {  	[sflag:s0] =	ssyncadd.s32 @!p0 s1  }
0x1aa: {  	[bflag:$0x3] =	sbarrier.arrive $0xFFFF  }
0x1ab: {  	_ =	shalt  }

</sc_bundles>
